<compile_context>
chip_gen: v7x
topology: tpu7x:2x2x1
jax: 0.10.2.dev20260603
libtpu: 0.0.44.dev20260713+nightly
codegen_flags: <defaults>
</compile_context>

<pallas_src>
import jax
import jax.numpy as jnp
from jax import lax
from jax.experimental import pallas as pl
from jax.experimental.pallas import tpu as pltpu
from jax.experimental.pallas import tpu_sc as plsc

NUM_FRAME = 8
TOPK = 64
TOP_ATTN = 6
P = 196
D = 768
NHEAD = 12
NLAYER = 12
NMAPS = (NLAYER - TOP_ATTN) * NHEAD
HALF_ROWS = NMAPS // 2
NCHUNK = 13
SLAB_W = 208
PSUM_W = NCHUNK * 16
BT = 2 * NUM_FRAME


def _topk_body(am_hbm, idx_hbm, slab, idxbuf):
    s = lax.axis_index("s")
    bt = s
    b = bt // NUM_FRAME
    t = bt % NUM_FRAME

    lane = lax.iota(jnp.int32, 16)

    @pl.when(s < BT)
    def _select():
        pltpu.sync_copy(am_hbm.at[b, t], slab)

        def _accum(j, accs):
            l = j // NHEAD
            h = j % NHEAD
            return tuple(accs[q] + slab[l, h, pl.ds(16 * q, 16)]
                         for q in range(NCHUNK))

        sc = list(lax.fori_loop(
            0, NMAPS, _accum,
            tuple(jnp.zeros((16,), jnp.float32) for _ in range(NCHUNK))))
        sc[NCHUNK - 1] = jnp.where(lane < P - 16 * (NCHUNK - 1),
                                   sc[NCHUNK - 1], -jnp.inf)
        gidx = [16 * q + lane for q in range(NCHUNK)]
        mask0 = lane == 0
        big = jnp.int32(1 << 30)

        def step(k, carry):
            svecs = list(carry)
            m = svecs[0]
            for q in range(1, NCHUNK):
                m = jnp.maximum(m, svecs[q])
            mmax = jnp.max(m)
            best = jnp.full((16,), big, jnp.int32)
            for q in range(NCHUNK):
                best = jnp.minimum(best,
                                   jnp.where(svecs[q] == mmax, gidx[q], big))
            mi = jnp.min(best)
            miv = jnp.full((16,), mi, jnp.int32)
            for q in range(NCHUNK):
                svecs[q] = jnp.where(gidx[q] == miv, -jnp.inf, svecs[q])
            plsc.store_scatter(idxbuf, [jnp.full((16,), k, jnp.int32)],
                               miv, mask=mask0)
            return tuple(svecs)

        lax.fori_loop(0, TOPK, step, tuple(sc))
        pltpu.sync_copy(idxbuf, idx_hbm.at[b, t, pl.ds(0, TOPK)])


@jax.jit
def _run(tokens, am):
    idx_pad = pl.kernel(
        _topk_body,
        out_type=jax.ShapeDtypeStruct((2, NUM_FRAME, 128), jnp.int32),
        mesh=plsc.VectorSubcoreMesh(core_axis_name="c", subcore_axis_name="s",
                                    num_cores=1),
        compiler_params=pltpu.CompilerParams(use_tc_tiling_on_sc=False,
                                             needs_layout_passes=False,
                                             disable_bounds_checks=True,
                                             disable_semaphore_checks=True),
        scratch_types=[
            pltpu.VMEM((NLAYER - TOP_ATTN, NHEAD, SLAB_W),
                       jnp.float32),
            pltpu.VMEM((TOPK,), jnp.int32),
        ],
    )(am)

    def _gather_body(idx_ref, tok_ref, out_ref):
        piota = lax.broadcasted_iota(jnp.int32, (TOPK, P), 1)
        for t in range(NUM_FRAME):
            onehot = (idx_ref[0, t, :TOPK][:, None] == piota)
            out_ref[0, pl.ds(t * TOPK, TOPK), :] = lax.dot(
                onehot.astype(jnp.float32),
                tok_ref[0, pl.ds(t * P, P), :],
                precision=lax.Precision.DEFAULT)

    out = pl.pallas_call(
        _gather_body,
        grid=(2,),
        in_specs=[
            pl.BlockSpec((1, NUM_FRAME, 128), lambda i: (i, 0, 0)),
            pl.BlockSpec((1, NUM_FRAME * P, D), lambda i: (i, 0, 0)),
        ],
        out_specs=pl.BlockSpec((1, NUM_FRAME * TOPK, D), lambda i: (i, 0, 0)),
        out_shape=jax.ShapeDtypeStruct((2, NUM_FRAME * TOPK, D), jnp.float32),
    )(idx_pad, tokens)
    return out, idx_pad[:, :, :TOPK]


def kernel(tokens, attn_maps):
    B = tokens.shape[0]
    am = jnp.pad(attn_maps[:, :, TOP_ATTN:, :, 0, 1:],
                 ((0, 0), (0, 0), (0, 0), (0, 0), (0, SLAB_W - P)))
    out, idx = _run(tokens, am)
    return out, idx

# --- scband reference (transcript-rebuilt; emitter-appended) ---
"""Pipeline reference for scband-token-selection-5454608466547 (READ-ONLY COPY).

The authoritative reference and input builder live on the scoring server;
editing this copy changes nothing except your own understanding.
"""

import jax, jax.numpy as jnp
import numpy as np

NUM_FRAME = 8
TOPK = 64
TOP_ATTN = 6
P = 196
D = 768


def setup_inputs(seed: int = 0) -> dict:
    key = jax.random.key(seed)
    k1, k2 = jax.random.split(key)
    tokens = jax.random.normal(k1, (2, NUM_FRAME * P, D), dtype=jnp.float32)
    attn_maps = jax.random.uniform(k2, (2, NUM_FRAME, 12, 12, P + 1, P + 1), dtype=jnp.float32)
    return {"tokens": tokens, "attn_maps": attn_maps}


def reference(tokens, attn_maps):
    B = tokens.shape[0]
    # rearrange 'b (t p) d -> b t p d'
    tok = tokens.reshape(B, NUM_FRAME, P, D)
    # attn_maps[:, :, top_attn:, :, 0, 1:] -> [B, T, L', H, 196]; sum over heads (dim=3)
    am = jnp.sum(attn_maps[:, :, TOP_ATTN:, :, 0, 1:], axis=3)
    # sum over remaining layers (dim=2) -> [B, T, 196]
    am = jnp.sum(am, axis=2)
    # top-k indices per (b, t), sorted descending (matches torch.topk sorted=True)
    _, idx = jax.lax.top_k(am, TOPK)  # [B, T, TOPK] int32
    # batched vector_gather: gather along patch dim
    out = jnp.take_along_axis(tok, idx[..., None], axis=2)  # [B, T, TOPK, D]
    # rearrange 'b t topk1 d -> b (t topk1) d'
    out = out.reshape(B, NUM_FRAME * TOPK, D)
    return out, idx

if __name__ == "__main__":
    import jax
    _d = setup_inputs()
    print(jax.jit(kernel)(*tuple(_d.values())))

</pallas_src>

<mosaic_0001>
#map = affine_map<(d0, d1) -> (0, 0, 0, 0, 0)>
#map1 = affine_map<(d0, d1) -> (0, 0, 0)>
module attributes {stable_mosaic.version = 14 : i64} {
  func.func @_topk_body(%arg0: i32, %arg1: i32, %arg2: memref<2x8x6x12x208xf32, #tpu.memory_space<hbm>>, %arg3: memref<2x8x128xi32, #tpu.memory_space<hbm>>, %arg4: memref<6x12x208xf32, #tpu.memory_space<vmem>>, %arg5: memref<64xi32, #tpu.memory_space<vmem>>) attributes {dimension_semantics = [#tpu.dimension_semantics<core_parallel>, #tpu.dimension_semantics<subcore_parallel>], iteration_bounds = array<i64: 1, 16>, scalar_prefetch = 0 : i64, scratch_operands = 2 : i64, tpu.core_type = #tpu.core_type<sc_vector_subcore>, window_params = [{transform_indices = #map}, {transform_indices = #map1}]} {
    %jit3A = arith.constant 8 : i32
    %div3A = arith.divsi %arg1, %jit3A : i32
    %sign3A = arith.constant 0 : i32
    %sign3A_0 = arith.cmpi sgt, %arg1, %sign3A : i32
    %sign3A_1 = arith.extui %sign3A_0 : i1 to i32
    %sign3A_2 = arith.constant 0 : i32
    %sign3A_3 = arith.cmpi slt, %arg1, %sign3A_2 : i32
    %sign3A_4 = arith.extui %sign3A_3 : i1 to i32
    %sign3A_5 = arith.subi %sign3A_1, %sign3A_4 : i32
    %sign3A_6 = arith.constant 0 : i32
    %sign3A_7 = arith.cmpi sgt, %jit3A, %sign3A_6 : i32
    %sign3A_8 = arith.extui %sign3A_7 : i1 to i32
    %sign3A_9 = arith.constant 0 : i32
    %sign3A_10 = arith.cmpi slt, %jit3A, %sign3A_9 : i32
    %sign3A_11 = arith.extui %sign3A_10 : i1 to i32
    %sign3A_12 = arith.subi %sign3A_8, %sign3A_11 : i32
    %ne3A = arith.cmpi ne, %sign3A_5, %sign3A_12 : i32
    %rem3A = arith.remsi %arg1, %jit3A : i32
    %ne3A_13 = arith.constant 0 : i32
    %ne3A_14 = arith.cmpi ne, %rem3A, %ne3A_13 : i32
    %and3A = arith.andi %ne3A, %ne3A_14 : i1
    %sub3A = arith.constant 1 : i32
    %sub3A_15 = arith.subi %div3A, %sub3A : i32
    %select_n3A = arith.select %and3A, %sub3A_15, %div3A : i32
    %jit3A_16 = arith.constant 8 : i32
    %eq3A = arith.constant 0 : i32
    %eq3A_17 = arith.cmpi eq, %jit3A_16, %eq3A : i32
    %jit3A_18 = arith.constant 1 : i32
    %select_n3A_19 = arith.select %eq3A_17, %jit3A_18, %jit3A_16 : i32
    %rem3A_20 = arith.remsi %arg1, %select_n3A_19 : i32
    %ne3A_21 = arith.constant 0 : i32
    %ne3A_22 = arith.cmpi ne, %rem3A_20, %ne3A_21 : i32
    %lt3A = arith.constant 0 : i32
    %lt3A_23 = arith.cmpi slt, %rem3A_20, %lt3A : i32
    %lt3A_24 = arith.constant 0 : i32
    %lt3A_25 = arith.cmpi slt, %select_n3A_19, %lt3A_24 : i32
    %ne3A_26 = arith.xori %lt3A_23, %lt3A_25 : i1
    %and3A_27 = arith.andi %ne3A_26, %ne3A_22 : i1
    %add3A = arith.addi %rem3A_20, %select_n3A_19 : i32
    %select_n3A_28 = arith.select %and3A_27, %add3A, %rem3A_20 : i32
    %iota3A = tpu.iota {dimensions = array<i32: 0>} : vector<16xi32>
    %lt3A_29 = arith.constant 16 : i32
    %lt3A_30 = arith.cmpi slt, %arg1, %lt3A_29 : i32
    %convert_element_type3A = arith.extui %lt3A_30 : i1 to i32
    %cond3A = arith.constant 0 : i32
    %cond3A_31 = arith.cmpi ne, %convert_element_type3A, %cond3A : i32
    scf.if %cond3A_31 {
      "tpu.region"() ({
        %run_scoped3A = tpu.sem_alloc : memref<!tpu.dma_semaphore, #tpu.memory_space<semaphore_mem>>
        %dma_start3A = arith.constant 0 : i32
        %dma_start3A_117 = arith.constant 0 : i32
        %dma_start3A_118 = arith.constant 0 : i32
        %dma_start3A_119 = tpu.memref_slice %arg2[%select_n3A, %select_n3A_28, %dma_start3A, %dma_start3A_117, %dma_start3A_118] : memref<2x8x6x12x208xf32, #tpu.memory_space<hbm>> -> memref<1x1x6x12x208xf32, #tpu.memory_space<hbm>>
        %dma_start3A_120 = tpu.memref_squeeze %dma_start3A_119 : memref<1x1x6x12x208xf32, #tpu.memory_space<hbm>> -> memref<6x12x208xf32, #tpu.memory_space<hbm>>
        %dma_start3A_121 = arith.constant 0 : i32
        %dma_start3A_122 = arith.constant 0 : i32
        %dma_start3A_123 = arith.constant 0 : i32
        %dma_start3A_124 = tpu.memref_slice %arg2[%select_n3A, %select_n3A_28, %dma_start3A_121, %dma_start3A_122, %dma_start3A_123] : memref<2x8x6x12x208xf32, #tpu.memory_space<hbm>> -> memref<1x1x6x12x208xf32, #tpu.memory_space<hbm>>
        %dma_start3A_125 = tpu.memref_squeeze %dma_start3A_124 : memref<1x1x6x12x208xf32, #tpu.memory_space<hbm>> -> memref<6x12x208xf32, #tpu.memory_space<hbm>>
        tpu.enqueue_dma source(%dma_start3A_125 : memref<6x12x208xf32, #tpu.memory_space<hbm>>) target(%arg4 : memref<6x12x208xf32, #tpu.memory_space<vmem>>) target_semaphore(%run_scoped3A : memref<!tpu.dma_semaphore, #tpu.memory_space<semaphore_mem>>)
        %dma_wait3A = arith.constant 0 : i32
        %dma_wait3A_126 = arith.constant 0 : i32
        %dma_wait3A_127 = arith.constant 0 : i32
        %dma_wait3A_128 = tpu.memref_slice %arg2[%select_n3A, %select_n3A_28, %dma_wait3A, %dma_wait3A_126, %dma_wait3A_127] : memref<2x8x6x12x208xf32, #tpu.memory_space<hbm>> -> memref<1x1x6x12x208xf32, #tpu.memory_space<hbm>>
        %dma_wait3A_129 = tpu.memref_squeeze %dma_wait3A_128 : memref<1x1x6x12x208xf32, #tpu.memory_space<hbm>> -> memref<6x12x208xf32, #tpu.memory_space<hbm>>
        %dma_wait3A_130 = arith.constant 0 : i32
        %dma_wait3A_131 = arith.constant 0 : i32
        %dma_wait3A_132 = arith.constant 0 : i32
        %dma_wait3A_133 = tpu.memref_slice %arg2[%select_n3A, %select_n3A_28, %dma_wait3A_130, %dma_wait3A_131, %dma_wait3A_132] : memref<2x8x6x12x208xf32, #tpu.memory_space<hbm>> -> memref<1x1x6x12x208xf32, #tpu.memory_space<hbm>>
        %dma_wait3A_134 = tpu.memref_squeeze %dma_wait3A_133 : memref<1x1x6x12x208xf32, #tpu.memory_space<hbm>> -> memref<6x12x208xf32, #tpu.memory_space<hbm>>
        tpu.wait_dma2 semaphore(%run_scoped3A : memref<!tpu.dma_semaphore, #tpu.memory_space<semaphore_mem>>) src(%dma_wait3A_134 : memref<6x12x208xf32, #tpu.memory_space<hbm>>) dst(%arg4 : memref<6x12x208xf32, #tpu.memory_space<vmem>>)
        tpu.yield
      }) : () -> ()
      %broadcast_in_dim3A = arith.constant 0.000000e+00 : f32
      %broadcast_in_dim3A_32 = vector.broadcast %broadcast_in_dim3A : f32 to vector<16xf32>
      %broadcast_in_dim3A_33 = arith.constant 0.000000e+00 : f32
      %broadcast_in_dim3A_34 = vector.broadcast %broadcast_in_dim3A_33 : f32 to vector<16xf32>
      %broadcast_in_dim3A_35 = arith.constant 0.000000e+00 : f32
      %broadcast_in_dim3A_36 = vector.broadcast %broadcast_in_dim3A_35 : f32 to vector<16xf32>
      %broadcast_in_dim3A_37 = arith.constant 0.000000e+00 : f32
      %broadcast_in_dim3A_38 = vector.broadcast %broadcast_in_dim3A_37 : f32 to vector<16xf32>
      %broadcast_in_dim3A_39 = arith.constant 0.000000e+00 : f32
      %broadcast_in_dim3A_40 = vector.broadcast %broadcast_in_dim3A_39 : f32 to vector<16xf32>
      %broadcast_in_dim3A_41 = arith.constant 0.000000e+00 : f32
      %broadcast_in_dim3A_42 = vector.broadcast %broadcast_in_dim3A_41 : f32 to vector<16xf32>
      %broadcast_in_dim3A_43 = arith.constant 0.000000e+00 : f32
      %broadcast_in_dim3A_44 = vector.broadcast %broadcast_in_dim3A_43 : f32 to vector<16xf32>
      %broadcast_in_dim3A_45 = arith.constant 0.000000e+00 : f32
      %broadcast_in_dim3A_46 = vector.broadcast %broadcast_in_dim3A_45 : f32 to vector<16xf32>
      %broadcast_in_dim3A_47 = arith.constant 0.000000e+00 : f32
      %broadcast_in_dim3A_48 = vector.broadcast %broadcast_in_dim3A_47 : f32 to vector<16xf32>
      %broadcast_in_dim3A_49 = arith.constant 0.000000e+00 : f32
      %broadcast_in_dim3A_50 = vector.broadcast %broadcast_in_dim3A_49 : f32 to vector<16xf32>
      %broadcast_in_dim3A_51 = arith.constant 0.000000e+00 : f32
      %broadcast_in_dim3A_52 = vector.broadcast %broadcast_in_dim3A_51 : f32 to vector<16xf32>
      %broadcast_in_dim3A_53 = arith.constant 0.000000e+00 : f32
      %broadcast_in_dim3A_54 = vector.broadcast %broadcast_in_dim3A_53 : f32 to vector<16xf32>
      %broadcast_in_dim3A_55 = arith.constant 0.000000e+00 : f32
      %broadcast_in_dim3A_56 = vector.broadcast %broadcast_in_dim3A_55 : f32 to vector<16xf32>
      %scan3A = arith.constant 0 : i32
      %scan3A_57 = arith.constant 72 : i32
      %scan3A_58 = arith.addi %scan3A, %scan3A_57 : i32
      %scan3A_59 = arith.constant 1 : i32
      %scan3A_60:13 = scf.for %scan3A_117 = %scan3A to %scan3A_58 step %scan3A_59 iter_args(%scan3A_118 = %broadcast_in_dim3A_32, %scan3A_119 = %broadcast_in_dim3A_34, %scan3A_120 = %broadcast_in_dim3A_36, %scan3A_121 = %broadcast_in_dim3A_38, %scan3A_122 = %broadcast_in_dim3A_40, %scan3A_123 = %broadcast_in_dim3A_42, %scan3A_124 = %broadcast_in_dim3A_44, %scan3A_125 = %broadcast_in_dim3A_46, %scan3A_126 = %broadcast_in_dim3A_48, %scan3A_127 = %broadcast_in_dim3A_50, %scan3A_128 = %broadcast_in_dim3A_52, %scan3A_129 = %broadcast_in_dim3A_54, %scan3A_130 = %broadcast_in_dim3A_56) -> (vector<16xf32>, vector<16xf32>, vector<16xf32>, vector<16xf32>, vector<16xf32>, vector<16xf32>, vector<16xf32>, vector<16xf32>, vector<16xf32>, vector<16xf32>, vector<16xf32>, vector<16xf32>, vector<16xf32>)  : i32 {
        %jit3A_131 = arith.constant 12 : i32
        %div3A_132 = arith.divsi %scan3A_117, %jit3A_131 : i32
        %sign3A_133 = arith.constant 0 : i32
        %sign3A_134 = arith.cmpi sgt, %scan3A_117, %sign3A_133 : i32
        %sign3A_135 = arith.extui %sign3A_134 : i1 to i32
        %sign3A_136 = arith.constant 0 : i32
        %sign3A_137 = arith.cmpi slt, %scan3A_117, %sign3A_136 : i32
        %sign3A_138 = arith.extui %sign3A_137 : i1 to i32
        %sign3A_139 = arith.subi %sign3A_135, %sign3A_138 : i32
        %sign3A_140 = arith.constant 0 : i32
        %sign3A_141 = arith.cmpi sgt, %jit3A_131, %sign3A_140 : i32
        %sign3A_142 = arith.extui %sign3A_141 : i1 to i32
        %sign3A_143 = arith.constant 0 : i32
        %sign3A_144 = arith.cmpi slt, %jit3A_131, %sign3A_143 : i32
        %sign3A_145 = arith.extui %sign3A_144 : i1 to i32
        %sign3A_146 = arith.subi %sign3A_142, %sign3A_145 : i32
        %ne3A_147 = arith.cmpi ne, %sign3A_139, %sign3A_146 : i32
        %rem3A_148 = arith.remsi %scan3A_117, %jit3A_131 : i32
        %ne3A_149 = arith.constant 0 : i32
        %ne3A_150 = arith.cmpi ne, %rem3A_148, %ne3A_149 : i32
        %and3A_151 = arith.andi %ne3A_147, %ne3A_150 : i1
        %sub3A_152 = arith.constant 1 : i32
        %sub3A_153 = arith.subi %div3A_132, %sub3A_152 : i32
        %select_n3A_154 = arith.select %and3A_151, %sub3A_153, %div3A_132 : i32
        %jit3A_155 = arith.constant 12 : i32
        %eq3A_156 = arith.constant 0 : i32
        %eq3A_157 = arith.cmpi eq, %jit3A_155, %eq3A_156 : i32
        %jit3A_158 = arith.constant 1 : i32
        %select_n3A_159 = arith.select %eq3A_157, %jit3A_158, %jit3A_155 : i32
        %rem3A_160 = arith.remsi %scan3A_117, %select_n3A_159 : i32
        %ne3A_161 = arith.constant 0 : i32
        %ne3A_162 = arith.cmpi ne, %rem3A_160, %ne3A_161 : i32
        %lt3A_163 = arith.constant 0 : i32
        %lt3A_164 = arith.cmpi slt, %rem3A_160, %lt3A_163 : i32
        %lt3A_165 = arith.constant 0 : i32
        %lt3A_166 = arith.cmpi slt, %select_n3A_159, %lt3A_165 : i32
        %ne3A_167 = arith.xori %lt3A_164, %lt3A_166 : i1
        %and3A_168 = arith.andi %ne3A_167, %ne3A_162 : i1
        %add3A_169 = arith.addi %rem3A_160, %select_n3A_159 : i32
        %select_n3A_170 = arith.select %and3A_168, %add3A_169, %rem3A_160 : i32
        %get3A = arith.index_cast %select_n3A_154 : i32 to index
        %get3A_171 = arith.index_cast %select_n3A_170 : i32 to index
        %get3A_172 = arith.constant 0 : index
        %get3A_173 = tpu.vector_load %arg4[%get3A, %get3A_171, %get3A_172] {strides = array<i32>} : memref<6x12x208xf32, #tpu.memory_space<vmem>>, vector<16xf32>,
        %add3A_174 = arith.addf %scan3A_118, %get3A_173 : vector<16xf32>
        %get3A_175 = arith.index_cast %select_n3A_154 : i32 to index
        %get3A_176 = arith.index_cast %select_n3A_170 : i32 to index
        %get3A_177 = arith.constant 16 : index
        %get3A_178 = tpu.vector_load %arg4[%get3A_175, %get3A_176, %get3A_177] {strides = array<i32>} : memref<6x12x208xf32, #tpu.memory_space<vmem>>, vector<16xf32>,
        %add3A_179 = arith.addf %scan3A_119, %get3A_178 : vector<16xf32>
        %get3A_180 = arith.index_cast %select_n3A_154 : i32 to index
        %get3A_181 = arith.index_cast %select_n3A_170 : i32 to index
        %get3A_182 = arith.constant 32 : index
        %get3A_183 = tpu.vector_load %arg4[%get3A_180, %get3A_181, %get3A_182] {strides = array<i32>} : memref<6x12x208xf32, #tpu.memory_space<vmem>>, vector<16xf32>,
        %add3A_184 = arith.addf %scan3A_120, %get3A_183 : vector<16xf32>
        %get3A_185 = arith.index_cast %select_n3A_154 : i32 to index
        %get3A_186 = arith.index_cast %select_n3A_170 : i32 to index
        %get3A_187 = arith.constant 48 : index
        %get3A_188 = tpu.vector_load %arg4[%get3A_185, %get3A_186, %get3A_187] {strides = array<i32>} : memref<6x12x208xf32, #tpu.memory_space<vmem>>, vector<16xf32>,
        %add3A_189 = arith.addf %scan3A_121, %get3A_188 : vector<16xf32>
        %get3A_190 = arith.index_cast %select_n3A_154 : i32 to index
        %get3A_191 = arith.index_cast %select_n3A_170 : i32 to index
        %get3A_192 = arith.constant 64 : index
        %get3A_193 = tpu.vector_load %arg4[%get3A_190, %get3A_191, %get3A_192] {strides = array<i32>} : memref<6x12x208xf32, #tpu.memory_space<vmem>>, vector<16xf32>,
        %add3A_194 = arith.addf %scan3A_122, %get3A_193 : vector<16xf32>
        %get3A_195 = arith.index_cast %select_n3A_154 : i32 to index
        %get3A_196 = arith.index_cast %select_n3A_170 : i32 to index
        %get3A_197 = arith.constant 80 : index
        %get3A_198 = tpu.vector_load %arg4[%get3A_195, %get3A_196, %get3A_197] {strides = array<i32>} : memref<6x12x208xf32, #tpu.memory_space<vmem>>, vector<16xf32>,
        %add3A_199 = arith.addf %scan3A_123, %get3A_198 : vector<16xf32>
        %get3A_200 = arith.index_cast %select_n3A_154 : i32 to index
        %get3A_201 = arith.index_cast %select_n3A_170 : i32 to index
        %get3A_202 = arith.constant 96 : index
        %get3A_203 = tpu.vector_load %arg4[%get3A_200, %get3A_201, %get3A_202] {strides = array<i32>} : memref<6x12x208xf32, #tpu.memory_space<vmem>>, vector<16xf32>,
        %add3A_204 = arith.addf %scan3A_124, %get3A_203 : vector<16xf32>
        %get3A_205 = arith.index_cast %select_n3A_154 : i32 to index
        %get3A_206 = arith.index_cast %select_n3A_170 : i32 to index
        %get3A_207 = arith.constant 112 : index
        %get3A_208 = tpu.vector_load %arg4[%get3A_205, %get3A_206, %get3A_207] {strides = array<i32>} : memref<6x12x208xf32, #tpu.memory_space<vmem>>, vector<16xf32>,
        %add3A_209 = arith.addf %scan3A_125, %get3A_208 : vector<16xf32>
        %get3A_210 = arith.index_cast %select_n3A_154 : i32 to index
        %get3A_211 = arith.index_cast %select_n3A_170 : i32 to index
        %get3A_212 = arith.constant 128 : index
        %get3A_213 = tpu.vector_load %arg4[%get3A_210, %get3A_211, %get3A_212] {strides = array<i32>} : memref<6x12x208xf32, #tpu.memory_space<vmem>>, vector<16xf32>,
        %add3A_214 = arith.addf %scan3A_126, %get3A_213 : vector<16xf32>
        %get3A_215 = arith.index_cast %select_n3A_154 : i32 to index
        %get3A_216 = arith.index_cast %select_n3A_170 : i32 to index
        %get3A_217 = arith.constant 144 : index
        %get3A_218 = tpu.vector_load %arg4[%get3A_215, %get3A_216, %get3A_217] {strides = array<i32>} : memref<6x12x208xf32, #tpu.memory_space<vmem>>, vector<16xf32>,
        %add3A_219 = arith.addf %scan3A_127, %get3A_218 : vector<16xf32>
        %get3A_220 = arith.index_cast %select_n3A_154 : i32 to index
        %get3A_221 = arith.index_cast %select_n3A_170 : i32 to index
        %get3A_222 = arith.constant 160 : index
        %get3A_223 = tpu.vector_load %arg4[%get3A_220, %get3A_221, %get3A_222] {strides = array<i32>} : memref<6x12x208xf32, #tpu.memory_space<vmem>>, vector<16xf32>,
        %add3A_224 = arith.addf %scan3A_128, %get3A_223 : vector<16xf32>
        %get3A_225 = arith.index_cast %select_n3A_154 : i32 to index
        %get3A_226 = arith.index_cast %select_n3A_170 : i32 to index
        %get3A_227 = arith.constant 176 : index
        %get3A_228 = tpu.vector_load %arg4[%get3A_225, %get3A_226, %get3A_227] {strides = array<i32>} : memref<6x12x208xf32, #tpu.memory_space<vmem>>, vector<16xf32>,
        %add3A_229 = arith.addf %scan3A_129, %get3A_228 : vector<16xf32>
        %get3A_230 = arith.index_cast %select_n3A_154 : i32 to index
        %get3A_231 = arith.index_cast %select_n3A_170 : i32 to index
        %get3A_232 = arith.constant 192 : index
        %get3A_233 = tpu.vector_load %arg4[%get3A_230, %get3A_231, %get3A_232] {strides = array<i32>} : memref<6x12x208xf32, #tpu.memory_space<vmem>>, vector<16xf32>,
        %add3A_234 = arith.addf %scan3A_130, %get3A_233 : vector<16xf32>
        scf.yield %add3A_174, %add3A_179, %add3A_184, %add3A_189, %add3A_194, %add3A_199, %add3A_204, %add3A_209, %add3A_214, %add3A_219, %add3A_224, %add3A_229, %add3A_234 : vector<16xf32>, vector<16xf32>, vector<16xf32>, vector<16xf32>, vector<16xf32>, vector<16xf32>, vector<16xf32>, vector<16xf32>, vector<16xf32>, vector<16xf32>, vector<16xf32>, vector<16xf32>, vector<16xf32>
      }
      %scan3A_61 = arith.constant 72 : i32
      %lt3A_62 = arith.constant 4 : i32
      %lt3A_63 = vector.broadcast %lt3A_62 : i32 to vector<16xi32>
      %lt3A_64 = arith.cmpi slt, %iota3A, %lt3A_63 : vector<16xi32>
      %jit3A_65 = arith.constant 0xFF800000 : f32
      %broadcast_in_dim3A_66 = vector.broadcast %jit3A_65 : f32 to vector<16xf32>
      %select_n3A_67 = arith.select %lt3A_64, %scan3A_60#12, %broadcast_in_dim3A_66 : vector<16xi1>, vector<16xf32>
      %add3A_68 = arith.constant 0 : i32
      %add3A_69 = vector.broadcast %add3A_68 : i32 to vector<16xi32>
      %add3A_70 = arith.addi %add3A_69, %iota3A : vector<16xi32>
      %add3A_71 = arith.constant 16 : i32
      %add3A_72 = vector.broadcast %add3A_71 : i32 to vector<16xi32>
      %add3A_73 = arith.addi %add3A_72, %iota3A : vector<16xi32>
      %add3A_74 = arith.constant 32 : i32
      %add3A_75 = vector.broadcast %add3A_74 : i32 to vector<16xi32>
      %add3A_76 = arith.addi %add3A_75, %iota3A : vector<16xi32>
      %add3A_77 = arith.constant 48 : i32
      %add3A_78 = vector.broadcast %add3A_77 : i32 to vector<16xi32>
      %add3A_79 = arith.addi %add3A_78, %iota3A : vector<16xi32>
      %add3A_80 = arith.constant 64 : i32
      %add3A_81 = vector.broadcast %add3A_80 : i32 to vector<16xi32>
      %add3A_82 = arith.addi %add3A_81, %iota3A : vector<16xi32>
      %add3A_83 = arith.constant 80 : i32
      %add3A_84 = vector.broadcast %add3A_83 : i32 to vector<16xi32>
      %add3A_85 = arith.addi %add3A_84, %iota3A : vector<16xi32>
      %add3A_86 = arith.constant 96 : i32
      %add3A_87 = vector.broadcast %add3A_86 : i32 to vector<16xi32>
      %add3A_88 = arith.addi %add3A_87, %iota3A : vector<16xi32>
      %add3A_89 = arith.constant 112 : i32
      %add3A_90 = vector.broadcast %add3A_89 : i32 to vector<16xi32>
      %add3A_91 = arith.addi %add3A_90, %iota3A : vector<16xi32>
      %add3A_92 = arith.constant 128 : i32
      %add3A_93 = vector.broadcast %add3A_92 : i32 to vector<16xi32>
      %add3A_94 = arith.addi %add3A_93, %iota3A : vector<16xi32>
      %add3A_95 = arith.constant 144 : i32
      %add3A_96 = vector.broadcast %add3A_95 : i32 to vector<16xi32>
      %add3A_97 = arith.addi %add3A_96, %iota3A : vector<16xi32>
      %add3A_98 = arith.constant 160 : i32
      %add3A_99 = vector.broadcast %add3A_98 : i32 to vector<16xi32>
      %add3A_100 = arith.addi %add3A_99, %iota3A : vector<16xi32>
      %add3A_101 = arith.constant 176 : i32
      %add3A_102 = vector.broadcast %add3A_101 : i32 to vector<16xi32>
      %add3A_103 = arith.addi %add3A_102, %iota3A : vector<16xi32>
      %add3A_104 = arith.constant 192 : i32
      %add3A_105 = vector.broadcast %add3A_104 : i32 to vector<16xi32>
      %add3A_106 = arith.addi %add3A_105, %iota3A : vector<16xi32>
      %eq3A_107 = arith.constant 0 : i32
      %eq3A_108 = vector.broadcast %eq3A_107 : i32 to vector<16xi32>
      %eq3A_109 = arith.cmpi eq, %iota3A, %eq3A_108 : vector<16xi32>
      %scan3A_110 = arith.constant 1073741824 : i32
      %scan3A_111 = arith.constant 0 : i32
      %scan3A_112 = arith.constant 64 : i32
      %scan3A_113 = arith.addi %scan3A_111, %scan3A_112 : i32
      %scan3A_114 = arith.constant 1 : i32
      %scan3A_115:13 = scf.for %scan3A_117 = %scan3A_111 to %scan3A_113 step %scan3A_114 iter_args(%scan3A_118 = %scan3A_60#0, %scan3A_119 = %scan3A_60#1, %scan3A_120 = %scan3A_60#2, %scan3A_121 = %scan3A_60#3, %scan3A_122 = %scan3A_60#4, %scan3A_123 = %scan3A_60#5, %scan3A_124 = %scan3A_60#6, %scan3A_125 = %scan3A_60#7, %scan3A_126 = %scan3A_60#8, %scan3A_127 = %scan3A_60#9, %scan3A_128 = %scan3A_60#10, %scan3A_129 = %scan3A_60#11, %scan3A_130 = %select_n3A_67) -> (vector<16xf32>, vector<16xf32>, vector<16xf32>, vector<16xf32>, vector<16xf32>, vector<16xf32>, vector<16xf32>, vector<16xf32>, vector<16xf32>, vector<16xf32>, vector<16xf32>, vector<16xf32>, vector<16xf32>)  : i32 {
        %max3A = arith.maximumf %scan3A_118, %scan3A_119 : vector<16xf32>
        %max3A_131 = arith.maximumf %max3A, %scan3A_120 : vector<16xf32>
        %max3A_132 = arith.maximumf %max3A_131, %scan3A_121 : vector<16xf32>
        %max3A_133 = arith.maximumf %max3A_132, %scan3A_122 : vector<16xf32>
        %max3A_134 = arith.maximumf %max3A_133, %scan3A_123 : vector<16xf32>
        %max3A_135 = arith.maximumf %max3A_134, %scan3A_124 : vector<16xf32>
        %max3A_136 = arith.maximumf %max3A_135, %scan3A_125 : vector<16xf32>
        %max3A_137 = arith.maximumf %max3A_136, %scan3A_126 : vector<16xf32>
        %max3A_138 = arith.maximumf %max3A_137, %scan3A_127 : vector<16xf32>
        %max3A_139 = arith.maximumf %max3A_138, %scan3A_128 : vector<16xf32>
        %max3A_140 = arith.maximumf %max3A_139, %scan3A_129 : vector<16xf32>
        %max3A_141 = arith.maximumf %max3A_140, %scan3A_130 : vector<16xf32>
        %reduce_max3A = arith.constant true
        %reduce_max3A_142 = vector.broadcast %reduce_max3A : i1 to vector<16xi1>
        %reduce_max3A_143 = tpu.scan <max>, %max3A_141 masked %reduce_max3A_142 : vector<16xf32>, vector<16xi1> -> vector<16xf32>
        %reduce_max3A_144 = vector.extract %reduce_max3A_143[15] : f32 from vector<16xf32>
        %broadcast_in_dim3A_145 = vector.broadcast %scan3A_110 : i32 to vector<16xi32>
        %eq3A_146 = vector.broadcast %reduce_max3A_144 : f32 to vector<16xf32>
        %eq3A_147 = arith.cmpf oeq, %scan3A_118, %eq3A_146 : vector<16xf32>
        %broadcast_in_dim3A_148 = vector.broadcast %scan3A_110 : i32 to vector<16xi32>
        %select_n3A_149 = arith.select %eq3A_147, %add3A_70, %broadcast_in_dim3A_148 : vector<16xi1>, vector<16xi32>
        %min3A = arith.minsi %broadcast_in_dim3A_145, %select_n3A_149 : vector<16xi32>
        %eq3A_150 = vector.broadcast %reduce_max3A_144 : f32 to vector<16xf32>
        %eq3A_151 = arith.cmpf oeq, %scan3A_119, %eq3A_150 : vector<16xf32>
        %broadcast_in_dim3A_152 = vector.broadcast %scan3A_110 : i32 to vector<16xi32>
        %select_n3A_153 = arith.select %eq3A_151, %add3A_73, %broadcast_in_dim3A_152 : vector<16xi1>, vector<16xi32>
        %min3A_154 = arith.minsi %min3A, %select_n3A_153 : vector<16xi32>
        %eq3A_155 = vector.broadcast %reduce_max3A_144 : f32 to vector<16xf32>
        %eq3A_156 = arith.cmpf oeq, %scan3A_120, %eq3A_155 : vector<16xf32>
        %broadcast_in_dim3A_157 = vector.broadcast %scan3A_110 : i32 to vector<16xi32>
        %select_n3A_158 = arith.select %eq3A_156, %add3A_76, %broadcast_in_dim3A_157 : vector<16xi1>, vector<16xi32>
        %min3A_159 = arith.minsi %min3A_154, %select_n3A_158 : vector<16xi32>
        %eq3A_160 = vector.broadcast %reduce_max3A_144 : f32 to vector<16xf32>
        %eq3A_161 = arith.cmpf oeq, %scan3A_121, %eq3A_160 : vector<16xf32>
        %broadcast_in_dim3A_162 = vector.broadcast %scan3A_110 : i32 to vector<16xi32>
        %select_n3A_163 = arith.select %eq3A_161, %add3A_79, %broadcast_in_dim3A_162 : vector<16xi1>, vector<16xi32>
        %min3A_164 = arith.minsi %min3A_159, %select_n3A_163 : vector<16xi32>
        %eq3A_165 = vector.broadcast %reduce_max3A_144 : f32 to vector<16xf32>
        %eq3A_166 = arith.cmpf oeq, %scan3A_122, %eq3A_165 : vector<16xf32>
        %broadcast_in_dim3A_167 = vector.broadcast %scan3A_110 : i32 to vector<16xi32>
        %select_n3A_168 = arith.select %eq3A_166, %add3A_82, %broadcast_in_dim3A_167 : vector<16xi1>, vector<16xi32>
        %min3A_169 = arith.minsi %min3A_164, %select_n3A_168 : vector<16xi32>
        %eq3A_170 = vector.broadcast %reduce_max3A_144 : f32 to vector<16xf32>
        %eq3A_171 = arith.cmpf oeq, %scan3A_123, %eq3A_170 : vector<16xf32>
        %broadcast_in_dim3A_172 = vector.broadcast %scan3A_110 : i32 to vector<16xi32>
        %select_n3A_173 = arith.select %eq3A_171, %add3A_85, %broadcast_in_dim3A_172 : vector<16xi1>, vector<16xi32>
        %min3A_174 = arith.minsi %min3A_169, %select_n3A_173 : vector<16xi32>
        %eq3A_175 = vector.broadcast %reduce_max3A_144 : f32 to vector<16xf32>
        %eq3A_176 = arith.cmpf oeq, %scan3A_124, %eq3A_175 : vector<16xf32>
        %broadcast_in_dim3A_177 = vector.broadcast %scan3A_110 : i32 to vector<16xi32>
        %select_n3A_178 = arith.select %eq3A_176, %add3A_88, %broadcast_in_dim3A_177 : vector<16xi1>, vector<16xi32>
        %min3A_179 = arith.minsi %min3A_174, %select_n3A_178 : vector<16xi32>
        %eq3A_180 = vector.broadcast %reduce_max3A_144 : f32 to vector<16xf32>
        %eq3A_181 = arith.cmpf oeq, %scan3A_125, %eq3A_180 : vector<16xf32>
        %broadcast_in_dim3A_182 = vector.broadcast %scan3A_110 : i32 to vector<16xi32>
        %select_n3A_183 = arith.select %eq3A_181, %add3A_91, %broadcast_in_dim3A_182 : vector<16xi1>, vector<16xi32>
        %min3A_184 = arith.minsi %min3A_179, %select_n3A_183 : vector<16xi32>
        %eq3A_185 = vector.broadcast %reduce_max3A_144 : f32 to vector<16xf32>
        %eq3A_186 = arith.cmpf oeq, %scan3A_126, %eq3A_185 : vector<16xf32>
        %broadcast_in_dim3A_187 = vector.broadcast %scan3A_110 : i32 to vector<16xi32>
        %select_n3A_188 = arith.select %eq3A_186, %add3A_94, %broadcast_in_dim3A_187 : vector<16xi1>, vector<16xi32>
        %min3A_189 = arith.minsi %min3A_184, %select_n3A_188 : vector<16xi32>
        %eq3A_190 = vector.broadcast %reduce_max3A_144 : f32 to vector<16xf32>
        %eq3A_191 = arith.cmpf oeq, %scan3A_127, %eq3A_190 : vector<16xf32>
        %broadcast_in_dim3A_192 = vector.broadcast %scan3A_110 : i32 to vector<16xi32>
        %select_n3A_193 = arith.select %eq3A_191, %add3A_97, %broadcast_in_dim3A_192 : vector<16xi1>, vector<16xi32>
        %min3A_194 = arith.minsi %min3A_189, %select_n3A_193 : vector<16xi32>
        %eq3A_195 = vector.broadcast %reduce_max3A_144 : f32 to vector<16xf32>
        %eq3A_196 = arith.cmpf oeq, %scan3A_128, %eq3A_195 : vector<16xf32>
        %broadcast_in_dim3A_197 = vector.broadcast %scan3A_110 : i32 to vector<16xi32>
        %select_n3A_198 = arith.select %eq3A_196, %add3A_100, %broadcast_in_dim3A_197 : vector<16xi1>, vector<16xi32>
        %min3A_199 = arith.minsi %min3A_194, %select_n3A_198 : vector<16xi32>
        %eq3A_200 = vector.broadcast %reduce_max3A_144 : f32 to vector<16xf32>
        %eq3A_201 = arith.cmpf oeq, %scan3A_129, %eq3A_200 : vector<16xf32>
        %broadcast_in_dim3A_202 = vector.broadcast %scan3A_110 : i32 to vector<16xi32>
        %select_n3A_203 = arith.select %eq3A_201, %add3A_103, %broadcast_in_dim3A_202 : vector<16xi1>, vector<16xi32>
        %min3A_204 = arith.minsi %min3A_199, %select_n3A_203 : vector<16xi32>
        %eq3A_205 = vector.broadcast %reduce_max3A_144 : f32 to vector<16xf32>
        %eq3A_206 = arith.cmpf oeq, %scan3A_130, %eq3A_205 : vector<16xf32>
        %broadcast_in_dim3A_207 = vector.broadcast %scan3A_110 : i32 to vector<16xi32>
        %select_n3A_208 = arith.select %eq3A_206, %add3A_106, %broadcast_in_dim3A_207 : vector<16xi1>, vector<16xi32>
        %min3A_209 = arith.minsi %min3A_204, %select_n3A_208 : vector<16xi32>
        %reduce_min3A = arith.constant true
        %reduce_min3A_210 = vector.broadcast %reduce_min3A : i1 to vector<16xi1>
        %reduce_min3A_211 = arith.constant -2147483648 : i32
        %reduce_min3A_212 = vector.broadcast %reduce_min3A_211 : i32 to vector<16xi32>
        %reduce_min3A_213 = arith.xori %min3A_209, %reduce_min3A_212 : vector<16xi32>
        %reduce_min3A_214 = tpu.scan <min>, %reduce_min3A_213 masked %reduce_min3A_210 : vector<16xi32>, vector<16xi1> -> vector<16xi32>
        %reduce_min3A_215 = arith.xori %reduce_min3A_214, %reduce_min3A_212 : vector<16xi32>
        %reduce_min3A_216 = vector.extract %reduce_min3A_215[15] : i32 from vector<16xi32>
        %broadcast_in_dim3A_217 = vector.broadcast %reduce_min3A_216 : i32 to vector<16xi32>
        %eq3A_218 = arith.cmpi eq, %add3A_70, %broadcast_in_dim3A_217 : vector<16xi32>
        %jit3A_219 = arith.constant 0xFF800000 : f32
        %broadcast_in_dim3A_220 = vector.broadcast %jit3A_219 : f32 to vector<16xf32>
        %select_n3A_221 = arith.select %eq3A_218, %broadcast_in_dim3A_220, %scan3A_118 : vector<16xi1>, vector<16xf32>
        %eq3A_222 = arith.cmpi eq, %add3A_73, %broadcast_in_dim3A_217 : vector<16xi32>
        %jit3A_223 = arith.constant 0xFF800000 : f32
        %broadcast_in_dim3A_224 = vector.broadcast %jit3A_223 : f32 to vector<16xf32>
        %select_n3A_225 = arith.select %eq3A_222, %broadcast_in_dim3A_224, %scan3A_119 : vector<16xi1>, vector<16xf32>
        %eq3A_226 = arith.cmpi eq, %add3A_76, %broadcast_in_dim3A_217 : vector<16xi32>
        %jit3A_227 = arith.constant 0xFF800000 : f32
        %broadcast_in_dim3A_228 = vector.broadcast %jit3A_227 : f32 to vector<16xf32>
        %select_n3A_229 = arith.select %eq3A_226, %broadcast_in_dim3A_228, %scan3A_120 : vector<16xi1>, vector<16xf32>
        %eq3A_230 = arith.cmpi eq, %add3A_79, %broadcast_in_dim3A_217 : vector<16xi32>
        %jit3A_231 = arith.constant 0xFF800000 : f32
        %broadcast_in_dim3A_232 = vector.broadcast %jit3A_231 : f32 to vector<16xf32>
        %select_n3A_233 = arith.select %eq3A_230, %broadcast_in_dim3A_232, %scan3A_121 : vector<16xi1>, vector<16xf32>
        %eq3A_234 = arith.cmpi eq, %add3A_82, %broadcast_in_dim3A_217 : vector<16xi32>
        %jit3A_235 = arith.constant 0xFF800000 : f32
        %broadcast_in_dim3A_236 = vector.broadcast %jit3A_235 : f32 to vector<16xf32>
        %select_n3A_237 = arith.select %eq3A_234, %broadcast_in_dim3A_236, %scan3A_122 : vector<16xi1>, vector<16xf32>
        %eq3A_238 = arith.cmpi eq, %add3A_85, %broadcast_in_dim3A_217 : vector<16xi32>
        %jit3A_239 = arith.constant 0xFF800000 : f32
        %broadcast_in_dim3A_240 = vector.broadcast %jit3A_239 : f32 to vector<16xf32>
        %select_n3A_241 = arith.select %eq3A_238, %broadcast_in_dim3A_240, %scan3A_123 : vector<16xi1>, vector<16xf32>
        %eq3A_242 = arith.cmpi eq, %add3A_88, %broadcast_in_dim3A_217 : vector<16xi32>
        %jit3A_243 = arith.constant 0xFF800000 : f32
        %broadcast_in_dim3A_244 = vector.broadcast %jit3A_243 : f32 to vector<16xf32>
        %select_n3A_245 = arith.select %eq3A_242, %broadcast_in_dim3A_244, %scan3A_124 : vector<16xi1>, vector<16xf32>
        %eq3A_246 = arith.cmpi eq, %add3A_91, %broadcast_in_dim3A_217 : vector<16xi32>
        %jit3A_247 = arith.constant 0xFF800000 : f32
        %broadcast_in_dim3A_248 = vector.broadcast %jit3A_247 : f32 to vector<16xf32>
        %select_n3A_249 = arith.select %eq3A_246, %broadcast_in_dim3A_248, %scan3A_125 : vector<16xi1>, vector<16xf32>
        %eq3A_250 = arith.cmpi eq, %add3A_94, %broadcast_in_dim3A_217 : vector<16xi32>
        %jit3A_251 = arith.constant 0xFF800000 : f32
        %broadcast_in_dim3A_252 = vector.broadcast %jit3A_251 : f32 to vector<16xf32>
        %select_n3A_253 = arith.select %eq3A_250, %broadcast_in_dim3A_252, %scan3A_126 : vector<16xi1>, vector<16xf32>
        %eq3A_254 = arith.cmpi eq, %add3A_97, %broadcast_in_dim3A_217 : vector<16xi32>
        %jit3A_255 = arith.constant 0xFF800000 : f32
        %broadcast_in_dim3A_256 = vector.broadcast %jit3A_255 : f32 to vector<16xf32>
        %select_n3A_257 = arith.select %eq3A_254, %broadcast_in_dim3A_256, %scan3A_127 : vector<16xi1>, vector<16xf32>
        %eq3A_258 = arith.cmpi eq, %add3A_100, %broadcast_in_dim3A_217 : vector<16xi32>
        %jit3A_259 = arith.constant 0xFF800000 : f32
        %broadcast_in_dim3A_260 = vector.broadcast %jit3A_259 : f32 to vector<16xf32>
        %select_n3A_261 = arith.select %eq3A_258, %broadcast_in_dim3A_260, %scan3A_128 : vector<16xi1>, vector<16xf32>
        %eq3A_262 = arith.cmpi eq, %add3A_103, %broadcast_in_dim3A_217 : vector<16xi32>
        %jit3A_263 = arith.constant 0xFF800000 : f32
        %broadcast_in_dim3A_264 = vector.broadcast %jit3A_263 : f32 to vector<16xf32>
        %select_n3A_265 = arith.select %eq3A_262, %broadcast_in_dim3A_264, %scan3A_129 : vector<16xi1>, vector<16xf32>
        %eq3A_266 = arith.cmpi eq, %add3A_106, %broadcast_in_dim3A_217 : vector<16xi32>
        %jit3A_267 = arith.constant 0xFF800000 : f32
        %broadcast_in_dim3A_268 = vector.broadcast %jit3A_267 : f32 to vector<16xf32>
        %select_n3A_269 = arith.select %eq3A_266, %broadcast_in_dim3A_268, %scan3A_130 : vector<16xi1>, vector<16xf32>
        %broadcast_in_dim3A_270 = vector.broadcast %scan3A_117 : i32 to vector<16xi32>
        tpu.vector_store_idx %arg5[%broadcast_in_dim3A_270], %broadcast_in_dim3A_217 masked %eq3A_109 : memref<64xi32, #tpu.memory_space<vmem>>[vector<16xi32>], vector<16xi32>, vector<16xi1>
        scf.yield %select_n3A_221, %select_n3A_225, %select_n3A_229, %select_n3A_233, %select_n3A_237, %select_n3A_241, %select_n3A_245, %select_n3A_249, %select_n3A_253, %select_n3A_257, %select_n3A_261, %select_n3A_265, %select_n3A_269 : vector<16xf32>, vector<16xf32>, vector<16xf32>, vector<16xf32>, vector<16xf32>, vector<16xf32>, vector<16xf32>, vector<16xf32>, vector<16xf32>, vector<16xf32>, vector<16xf32>, vector<16xf32>, vector<16xf32>
      }
      %scan3A_116 = arith.constant 64 : i32
      "tpu.region"() ({
        %run_scoped3A = tpu.sem_alloc : memref<!tpu.dma_semaphore, #tpu.memory_space<semaphore_mem>>
        %dma_start3A = arith.constant 0 : i32
        %dma_start3A_117 = tpu.memref_slice %arg3[%select_n3A, %select_n3A_28, %dma_start3A] : memref<2x8x128xi32, #tpu.memory_space<hbm>> -> memref<1x1x64xi32, #tpu.memory_space<hbm>>
        %dma_start3A_118 = tpu.memref_squeeze %dma_start3A_117 : memref<1x1x64xi32, #tpu.memory_space<hbm>> -> memref<64xi32, #tpu.memory_space<hbm>>
        %dma_start3A_119 = arith.constant 0 : i32
        %dma_start3A_120 = tpu.memref_slice %arg3[%select_n3A, %select_n3A_28, %dma_start3A_119] : memref<2x8x128xi32, #tpu.memory_space<hbm>> -> memref<1x1x64xi32, #tpu.memory_space<hbm>>
        %dma_start3A_121 = tpu.memref_squeeze %dma_start3A_120 : memref<1x1x64xi32, #tpu.memory_space<hbm>> -> memref<64xi32, #tpu.memory_space<hbm>>
        tpu.enqueue_dma source(%arg5 : memref<64xi32, #tpu.memory_space<vmem>>) target(%dma_start3A_121 : memref<64xi32, #tpu.memory_space<hbm>>) target_semaphore(%run_scoped3A : memref<!tpu.dma_semaphore, #tpu.memory_space<semaphore_mem>>)
        %dma_wait3A = arith.constant 0 : i32
        %dma_wait3A_122 = tpu.memref_slice %arg3[%select_n3A, %select_n3A_28, %dma_wait3A] : memref<2x8x128xi32, #tpu.memory_space<hbm>> -> memref<1x1x64xi32, #tpu.memory_space<hbm>>
        %dma_wait3A_123 = tpu.memref_squeeze %dma_wait3A_122 : memref<1x1x64xi32, #tpu.memory_space<hbm>> -> memref<64xi32, #tpu.memory_space<hbm>>
        %dma_wait3A_124 = arith.constant 0 : i32
        %dma_wait3A_125 = tpu.memref_slice %arg3[%select_n3A, %select_n3A_28, %dma_wait3A_124] : memref<2x8x128xi32, #tpu.memory_space<hbm>> -> memref<1x1x64xi32, #tpu.memory_space<hbm>>
        %dma_wait3A_126 = tpu.memref_squeeze %dma_wait3A_125 : memref<1x1x64xi32, #tpu.memory_space<hbm>> -> memref<64xi32, #tpu.memory_space<hbm>>
        tpu.wait_dma2 semaphore(%run_scoped3A : memref<!tpu.dma_semaphore, #tpu.memory_space<semaphore_mem>>) src(%arg5 : memref<64xi32, #tpu.memory_space<vmem>>) dst(%dma_wait3A_126 : memref<64xi32, #tpu.memory_space<hbm>>)
        tpu.yield
      }) : () -> ()
    } else {
    }
    return
  }
}

module attributes {stable_mosaic.version = 14 : i64} {
  func.func @_gather_body(%arg0: i32, %arg1: memref<1x8x128xi32, #tpu.memory_space<vmem>>, %arg2: memref<1x1568x768xf32, #tpu.memory_space<vmem>>, %arg3: memref<1x512x768xf32, #tpu.memory_space<vmem>>) attributes {dimension_semantics = [#tpu.dimension_semantics<arbitrary>], iteration_bounds = array<i64: 2>, scalar_prefetch = 0 : i64, scratch_operands = 0 : i64, tpu.core_type = #tpu.core_type<tc>, window_params = [{transform_indices = @transform_0, window_bounds = array<i64: 1, 8, 128>}, {transform_indices = @transform_1, window_bounds = array<i64: 1, 1568, 768>}, {transform_indices = @transform_2, window_bounds = array<i64: 1, 512, 768>}]} {
    %iota3A = tpu.iota {dimensions = array<i32: 1>} : vector<64x196xi32>
    %get3A = arith.constant 0 : index
    %get3A_0 = arith.constant 0 : index
    %get3A_1 = arith.constant 0 : index
    %get3A_2 = vector.load %arg1[%get3A, %get3A_0, %get3A_1] : memref<1x8x128xi32, #tpu.memory_space<vmem>>, vector<1x1x64xi32>
    %get3A_3 = vector.shape_cast %get3A_2 : vector<1x1x64xi32> to vector<64xi32>
    %broadcast_in_dim3A = vector.shape_cast %get3A_3 : vector<64xi32> to vector<64x1xi32>
    %eq3A = vector.broadcast %broadcast_in_dim3A : vector<64x1xi32> to vector<64x196xi32>
    %eq3A_4 = arith.cmpi eq, %eq3A, %iota3A : vector<64x196xi32>
    %convert_element_type3A = arith.extui %eq3A_4 : vector<64x196xi1> to vector<64x196xi32>
    %convert_element_type3A_5 = arith.sitofp %convert_element_type3A : vector<64x196xi32> to vector<64x196xf32>
    %get3A_6 = arith.constant 0 : index
    %get3A_7 = arith.constant 0 : index
    %get3A_8 = arith.constant 0 : index
    %get3A_9 = vector.load %arg2[%get3A_6, %get3A_7, %get3A_8] : memref<1x1568x768xf32, #tpu.memory_space<vmem>>, vector<1x196x768xf32>
    %get3A_10 = vector.shape_cast %get3A_9 : vector<1x196x768xf32> to vector<196x768xf32>
    %dot_general3A = arith.constant dense<0.000000e+00> : vector<64x768xf32>
    %dot_general3A_11 = tpu.matmul %convert_element_type3A_5, %get3A_10, %dot_general3A {dimension_numbers = #tpu.dot_dimension_numbers<[1], [0], [0], [1], [0, 0, 1, 1], [], []>, transpose_lhs_hint = false} : vector<64x196xf32>, vector<196x768xf32>, vector<64x768xf32> -> vector<64x768xf32>
    %swap3A = arith.constant 0 : index
    %swap3A_12 = arith.constant 0 : index
    %swap3A_13 = arith.constant 0 : index
    %swap3A_14 = vector.load %arg3[%swap3A, %swap3A_12, %swap3A_13] : memref<1x512x768xf32, #tpu.memory_space<vmem>>, vector<1x64x768xf32>
    %swap3A_15 = vector.shape_cast %swap3A_14 : vector<1x64x768xf32> to vector<64x768xf32>
    %swap3A_16 = vector.shape_cast %dot_general3A_11 : vector<64x768xf32> to vector<1x64x768xf32>
    tpu.vector_store %arg3[%swap3A, %swap3A_12, %swap3A_13], %swap3A_16 {strides = array<i32>} : memref<1x512x768xf32, #tpu.memory_space<vmem>>, vector<1x64x768xf32>,
    %get3A_17 = arith.constant 0 : index
    %get3A_18 = arith.constant 1 : index
    %get3A_19 = arith.constant 0 : index
    %get3A_20 = vector.load %arg1[%get3A_17, %get3A_18, %get3A_19] : memref<1x8x128xi32, #tpu.memory_space<vmem>>, vector<1x1x64xi32>
    %get3A_21 = vector.shape_cast %get3A_20 : vector<1x1x64xi32> to vector<64xi32>
    %broadcast_in_dim3A_22 = vector.shape_cast %get3A_21 : vector<64xi32> to vector<64x1xi32>
    %eq3A_23 = vector.broadcast %broadcast_in_dim3A_22 : vector<64x1xi32> to vector<64x196xi32>
    %eq3A_24 = arith.cmpi eq, %eq3A_23, %iota3A : vector<64x196xi32>
    %convert_element_type3A_25 = arith.extui %eq3A_24 : vector<64x196xi1> to vector<64x196xi32>
    %convert_element_type3A_26 = arith.sitofp %convert_element_type3A_25 : vector<64x196xi32> to vector<64x196xf32>
    %get3A_27 = arith.constant 0 : index
    %get3A_28 = arith.constant 196 : index
    %get3A_29 = arith.constant 0 : index
    %get3A_30 = vector.load %arg2[%get3A_27, %get3A_28, %get3A_29] : memref<1x1568x768xf32, #tpu.memory_space<vmem>>, vector<1x196x768xf32>
    %get3A_31 = vector.shape_cast %get3A_30 : vector<1x196x768xf32> to vector<196x768xf32>
    %dot_general3A_32 = arith.constant dense<0.000000e+00> : vector<64x768xf32>
    %dot_general3A_33 = tpu.matmul %convert_element_type3A_26, %get3A_31, %dot_general3A_32 {dimension_numbers = #tpu.dot_dimension_numbers<[1], [0], [0], [1], [0, 0, 1, 1], [], []>, transpose_lhs_hint = false} : vector<64x196xf32>, vector<196x768xf32>, vector<64x768xf32> -> vector<64x768xf32>
    %swap3A_34 = arith.constant 0 : index
    %swap3A_35 = arith.constant 64 : index
    %swap3A_36 = arith.constant 0 : index
    %swap3A_37 = vector.load %arg3[%swap3A_34, %swap3A_35, %swap3A_36] : memref<1x512x768xf32, #tpu.memory_space<vmem>>, vector<1x64x768xf32>
    %swap3A_38 = vector.shape_cast %swap3A_37 : vector<1x64x768xf32> to vector<64x768xf32>
    %swap3A_39 = vector.shape_cast %dot_general3A_33 : vector<64x768xf32> to vector<1x64x768xf32>
    tpu.vector_store %arg3[%swap3A_34, %swap3A_35, %swap3A_36], %swap3A_39 {strides = array<i32>} : memref<1x512x768xf32, #tpu.memory_space<vmem>>, vector<1x64x768xf32>,
    %get3A_40 = arith.constant 0 : index
    %get3A_41 = arith.constant 2 : index
    %get3A_42 = arith.constant 0 : index
    %get3A_43 = vector.load %arg1[%get3A_40, %get3A_41, %get3A_42] : memref<1x8x128xi32, #tpu.memory_space<vmem>>, vector<1x1x64xi32>
    %get3A_44 = vector.shape_cast %get3A_43 : vector<1x1x64xi32> to vector<64xi32>
    %broadcast_in_dim3A_45 = vector.shape_cast %get3A_44 : vector<64xi32> to vector<64x1xi32>
    %eq3A_46 = vector.broadcast %broadcast_in_dim3A_45 : vector<64x1xi32> to vector<64x196xi32>
    %eq3A_47 = arith.cmpi eq, %eq3A_46, %iota3A : vector<64x196xi32>
    %convert_element_type3A_48 = arith.extui %eq3A_47 : vector<64x196xi1> to vector<64x196xi32>
    %convert_element_type3A_49 = arith.sitofp %convert_element_type3A_48 : vector<64x196xi32> to vector<64x196xf32>
    %get3A_50 = arith.constant 0 : index
    %get3A_51 = arith.constant 392 : index
    %get3A_52 = arith.constant 0 : index
    %get3A_53 = vector.load %arg2[%get3A_50, %get3A_51, %get3A_52] : memref<1x1568x768xf32, #tpu.memory_space<vmem>>, vector<1x196x768xf32>
    %get3A_54 = vector.shape_cast %get3A_53 : vector<1x196x768xf32> to vector<196x768xf32>
    %dot_general3A_55 = arith.constant dense<0.000000e+00> : vector<64x768xf32>
    %dot_general3A_56 = tpu.matmul %convert_element_type3A_49, %get3A_54, %dot_general3A_55 {dimension_numbers = #tpu.dot_dimension_numbers<[1], [0], [0], [1], [0, 0, 1, 1], [], []>, transpose_lhs_hint = false} : vector<64x196xf32>, vector<196x768xf32>, vector<64x768xf32> -> vector<64x768xf32>
    %swap3A_57 = arith.constant 0 : index
    %swap3A_58 = arith.constant 128 : index
    %swap3A_59 = arith.constant 0 : index
    %swap3A_60 = vector.load %arg3[%swap3A_57, %swap3A_58, %swap3A_59] : memref<1x512x768xf32, #tpu.memory_space<vmem>>, vector<1x64x768xf32>
    %swap3A_61 = vector.shape_cast %swap3A_60 : vector<1x64x768xf32> to vector<64x768xf32>
    %swap3A_62 = vector.shape_cast %dot_general3A_56 : vector<64x768xf32> to vector<1x64x768xf32>
    tpu.vector_store %arg3[%swap3A_57, %swap3A_58, %swap3A_59], %swap3A_62 {strides = array<i32>} : memref<1x512x768xf32, #tpu.memory_space<vmem>>, vector<1x64x768xf32>,
    %get3A_63 = arith.constant 0 : index
    %get3A_64 = arith.constant 3 : index
    %get3A_65 = arith.constant 0 : index
    %get3A_66 = vector.load %arg1[%get3A_63, %get3A_64, %get3A_65] : memref<1x8x128xi32, #tpu.memory_space<vmem>>, vector<1x1x64xi32>
    %get3A_67 = vector.shape_cast %get3A_66 : vector<1x1x64xi32> to vector<64xi32>
    %broadcast_in_dim3A_68 = vector.shape_cast %get3A_67 : vector<64xi32> to vector<64x1xi32>
    %eq3A_69 = vector.broadcast %broadcast_in_dim3A_68 : vector<64x1xi32> to vector<64x196xi32>
    %eq3A_70 = arith.cmpi eq, %eq3A_69, %iota3A : vector<64x196xi32>
    %convert_element_type3A_71 = arith.extui %eq3A_70 : vector<64x196xi1> to vector<64x196xi32>
    %convert_element_type3A_72 = arith.sitofp %convert_element_type3A_71 : vector<64x196xi32> to vector<64x196xf32>
    %get3A_73 = arith.constant 0 : index
    %get3A_74 = arith.constant 588 : index
    %get3A_75 = arith.constant 0 : index
    %get3A_76 = vector.load %arg2[%get3A_73, %get3A_74, %get3A_75] : memref<1x1568x768xf32, #tpu.memory_space<vmem>>, vector<1x196x768xf32>
    %get3A_77 = vector.shape_cast %get3A_76 : vector<1x196x768xf32> to vector<196x768xf32>
    %dot_general3A_78 = arith.constant dense<0.000000e+00> : vector<64x768xf32>
    %dot_general3A_79 = tpu.matmul %convert_element_type3A_72, %get3A_77, %dot_general3A_78 {dimension_numbers = #tpu.dot_dimension_numbers<[1], [0], [0], [1], [0, 0, 1, 1], [], []>, transpose_lhs_hint = false} : vector<64x196xf32>, vector<196x768xf32>, vector<64x768xf32> -> vector<64x768xf32>
    %swap3A_80 = arith.constant 0 : index
    %swap3A_81 = arith.constant 192 : index
    %swap3A_82 = arith.constant 0 : index
    %swap3A_83 = vector.load %arg3[%swap3A_80, %swap3A_81, %swap3A_82] : memref<1x512x768xf32, #tpu.memory_space<vmem>>, vector<1x64x768xf32>
    %swap3A_84 = vector.shape_cast %swap3A_83 : vector<1x64x768xf32> to vector<64x768xf32>
    %swap3A_85 = vector.shape_cast %dot_general3A_79 : vector<64x768xf32> to vector<1x64x768xf32>
    tpu.vector_store %arg3[%swap3A_80, %swap3A_81, %swap3A_82], %swap3A_85 {strides = array<i32>} : memref<1x512x768xf32, #tpu.memory_space<vmem>>, vector<1x64x768xf32>,
    %get3A_86 = arith.constant 0 : index
    %get3A_87 = arith.constant 4 : index
    %get3A_88 = arith.constant 0 : index
    %get3A_89 = vector.load %arg1[%get3A_86, %get3A_87, %get3A_88] : memref<1x8x128xi32, #tpu.memory_space<vmem>>, vector<1x1x64xi32>
    %get3A_90 = vector.shape_cast %get3A_89 : vector<1x1x64xi32> to vector<64xi32>
    %broadcast_in_dim3A_91 = vector.shape_cast %get3A_90 : vector<64xi32> to vector<64x1xi32>
    %eq3A_92 = vector.broadcast %broadcast_in_dim3A_91 : vector<64x1xi32> to vector<64x196xi32>
    %eq3A_93 = arith.cmpi eq, %eq3A_92, %iota3A : vector<64x196xi32>
    %convert_element_type3A_94 = arith.extui %eq3A_93 : vector<64x196xi1> to vector<64x196xi32>
    %convert_element_type3A_95 = arith.sitofp %convert_element_type3A_94 : vector<64x196xi32> to vector<64x196xf32>
    %get3A_96 = arith.constant 0 : index
    %get3A_97 = arith.constant 784 : index
    %get3A_98 = arith.constant 0 : index
    %get3A_99 = vector.load %arg2[%get3A_96, %get3A_97, %get3A_98] : memref<1x1568x768xf32, #tpu.memory_space<vmem>>, vector<1x196x768xf32>
    %get3A_100 = vector.shape_cast %get3A_99 : vector<1x196x768xf32> to vector<196x768xf32>
    %dot_general3A_101 = arith.constant dense<0.000000e+00> : vector<64x768xf32>
    %dot_general3A_102 = tpu.matmul %convert_element_type3A_95, %get3A_100, %dot_general3A_101 {dimension_numbers = #tpu.dot_dimension_numbers<[1], [0], [0], [1], [0, 0, 1, 1], [], []>, transpose_lhs_hint = false} : vector<64x196xf32>, vector<196x768xf32>, vector<64x768xf32> -> vector<64x768xf32>
    %swap3A_103 = arith.constant 0 : index
    %swap3A_104 = arith.constant 256 : index
    %swap3A_105 = arith.constant 0 : index
    %swap3A_106 = vector.load %arg3[%swap3A_103, %swap3A_104, %swap3A_105] : memref<1x512x768xf32, #tpu.memory_space<vmem>>, vector<1x64x768xf32>
    %swap3A_107 = vector.shape_cast %swap3A_106 : vector<1x64x768xf32> to vector<64x768xf32>
    %swap3A_108 = vector.shape_cast %dot_general3A_102 : vector<64x768xf32> to vector<1x64x768xf32>
    tpu.vector_store %arg3[%swap3A_103, %swap3A_104, %swap3A_105], %swap3A_108 {strides = array<i32>} : memref<1x512x768xf32, #tpu.memory_space<vmem>>, vector<1x64x768xf32>,
    %get3A_109 = arith.constant 0 : index
    %get3A_110 = arith.constant 5 : index
    %get3A_111 = arith.constant 0 : index
    %get3A_112 = vector.load %arg1[%get3A_109, %get3A_110, %get3A_111] : memref<1x8x128xi32, #tpu.memory_space<vmem>>, vector<1x1x64xi32>
    %get3A_113 = vector.shape_cast %get3A_112 : vector<1x1x64xi32> to vector<64xi32>
    %broadcast_in_dim3A_114 = vector.shape_cast %get3A_113 : vector<64xi32> to vector<64x1xi32>
    %eq3A_115 = vector.broadcast %broadcast_in_dim3A_114 : vector<64x1xi32> to vector<64x196xi32>
    %eq3A_116 = arith.cmpi eq, %eq3A_115, %iota3A : vector<64x196xi32>
    %convert_element_type3A_117 = arith.extui %eq3A_116 : vector<64x196xi1> to vector<64x196xi32>
    %convert_element_type3A_118 = arith.sitofp %convert_element_type3A_117 : vector<64x196xi32> to vector<64x196xf32>
    %get3A_119 = arith.constant 0 : index
    %get3A_120 = arith.constant 980 : index
    %get3A_121 = arith.constant 0 : index
    %get3A_122 = vector.load %arg2[%get3A_119, %get3A_120, %get3A_121] : memref<1x1568x768xf32, #tpu.memory_space<vmem>>, vector<1x196x768xf32>
    %get3A_123 = vector.shape_cast %get3A_122 : vector<1x196x768xf32> to vector<196x768xf32>
    %dot_general3A_124 = arith.constant dense<0.000000e+00> : vector<64x768xf32>
    %dot_general3A_125 = tpu.matmul %convert_element_type3A_118, %get3A_123, %dot_general3A_124 {dimension_numbers = #tpu.dot_dimension_numbers<[1], [0], [0], [1], [0, 0, 1, 1], [], []>, transpose_lhs_hint = false} : vector<64x196xf32>, vector<196x768xf32>, vector<64x768xf32> -> vector<64x768xf32>
    %swap3A_126 = arith.constant 0 : index
    %swap3A_127 = arith.constant 320 : index
    %swap3A_128 = arith.constant 0 : index
    %swap3A_129 = vector.load %arg3[%swap3A_126, %swap3A_127, %swap3A_128] : memref<1x512x768xf32, #tpu.memory_space<vmem>>, vector<1x64x768xf32>
    %swap3A_130 = vector.shape_cast %swap3A_129 : vector<1x64x768xf32> to vector<64x768xf32>
    %swap3A_131 = vector.shape_cast %dot_general3A_125 : vector<64x768xf32> to vector<1x64x768xf32>
    tpu.vector_store %arg3[%swap3A_126, %swap3A_127, %swap3A_128], %swap3A_131 {strides = array<i32>} : memref<1x512x768xf32, #tpu.memory_space<vmem>>, vector<1x64x768xf32>,
    %get3A_132 = arith.constant 0 : index
    %get3A_133 = arith.constant 6 : index
    %get3A_134 = arith.constant 0 : index
    %get3A_135 = vector.load %arg1[%get3A_132, %get3A_133, %get3A_134] : memref<1x8x128xi32, #tpu.memory_space<vmem>>, vector<1x1x64xi32>
    %get3A_136 = vector.shape_cast %get3A_135 : vector<1x1x64xi32> to vector<64xi32>
    %broadcast_in_dim3A_137 = vector.shape_cast %get3A_136 : vector<64xi32> to vector<64x1xi32>
    %eq3A_138 = vector.broadcast %broadcast_in_dim3A_137 : vector<64x1xi32> to vector<64x196xi32>
    %eq3A_139 = arith.cmpi eq, %eq3A_138, %iota3A : vector<64x196xi32>
    %convert_element_type3A_140 = arith.extui %eq3A_139 : vector<64x196xi1> to vector<64x196xi32>
    %convert_element_type3A_141 = arith.sitofp %convert_element_type3A_140 : vector<64x196xi32> to vector<64x196xf32>
    %get3A_142 = arith.constant 0 : index
    %get3A_143 = arith.constant 1176 : index
    %get3A_144 = arith.constant 0 : index
    %get3A_145 = vector.load %arg2[%get3A_142, %get3A_143, %get3A_144] : memref<1x1568x768xf32, #tpu.memory_space<vmem>>, vector<1x196x768xf32>
    %get3A_146 = vector.shape_cast %get3A_145 : vector<1x196x768xf32> to vector<196x768xf32>
    %dot_general3A_147 = arith.constant dense<0.000000e+00> : vector<64x768xf32>
    %dot_general3A_148 = tpu.matmul %convert_element_type3A_141, %get3A_146, %dot_general3A_147 {dimension_numbers = #tpu.dot_dimension_numbers<[1], [0], [0], [1], [0, 0, 1, 1], [], []>, transpose_lhs_hint = false} : vector<64x196xf32>, vector<196x768xf32>, vector<64x768xf32> -> vector<64x768xf32>
    %swap3A_149 = arith.constant 0 : index
    %swap3A_150 = arith.constant 384 : index
    %swap3A_151 = arith.constant 0 : index
    %swap3A_152 = vector.load %arg3[%swap3A_149, %swap3A_150, %swap3A_151] : memref<1x512x768xf32, #tpu.memory_space<vmem>>, vector<1x64x768xf32>
    %swap3A_153 = vector.shape_cast %swap3A_152 : vector<1x64x768xf32> to vector<64x768xf32>
    %swap3A_154 = vector.shape_cast %dot_general3A_148 : vector<64x768xf32> to vector<1x64x768xf32>
    tpu.vector_store %arg3[%swap3A_149, %swap3A_150, %swap3A_151], %swap3A_154 {strides = array<i32>} : memref<1x512x768xf32, #tpu.memory_space<vmem>>, vector<1x64x768xf32>,
    %get3A_155 = arith.constant 0 : index
    %get3A_156 = arith.constant 7 : index
    %get3A_157 = arith.constant 0 : index
    %get3A_158 = vector.load %arg1[%get3A_155, %get3A_156, %get3A_157] : memref<1x8x128xi32, #tpu.memory_space<vmem>>, vector<1x1x64xi32>
    %get3A_159 = vector.shape_cast %get3A_158 : vector<1x1x64xi32> to vector<64xi32>
    %broadcast_in_dim3A_160 = vector.shape_cast %get3A_159 : vector<64xi32> to vector<64x1xi32>
    %eq3A_161 = vector.broadcast %broadcast_in_dim3A_160 : vector<64x1xi32> to vector<64x196xi32>
    %eq3A_162 = arith.cmpi eq, %eq3A_161, %iota3A : vector<64x196xi32>
    %convert_element_type3A_163 = arith.extui %eq3A_162 : vector<64x196xi1> to vector<64x196xi32>
    %convert_element_type3A_164 = arith.sitofp %convert_element_type3A_163 : vector<64x196xi32> to vector<64x196xf32>
    %get3A_165 = arith.constant 0 : index
    %get3A_166 = arith.constant 1372 : index
    %get3A_167 = arith.constant 0 : index
    %get3A_168 = vector.load %arg2[%get3A_165, %get3A_166, %get3A_167] : memref<1x1568x768xf32, #tpu.memory_space<vmem>>, vector<1x196x768xf32>
    %get3A_169 = vector.shape_cast %get3A_168 : vector<1x196x768xf32> to vector<196x768xf32>
    %dot_general3A_170 = arith.constant dense<0.000000e+00> : vector<64x768xf32>
    %dot_general3A_171 = tpu.matmul %convert_element_type3A_164, %get3A_169, %dot_general3A_170 {dimension_numbers = #tpu.dot_dimension_numbers<[1], [0], [0], [1], [0, 0, 1, 1], [], []>, transpose_lhs_hint = false} : vector<64x196xf32>, vector<196x768xf32>, vector<64x768xf32> -> vector<64x768xf32>
    %swap3A_172 = arith.constant 0 : index
    %swap3A_173 = arith.constant 448 : index
    %swap3A_174 = arith.constant 0 : index
    %swap3A_175 = vector.load %arg3[%swap3A_172, %swap3A_173, %swap3A_174] : memref<1x512x768xf32, #tpu.memory_space<vmem>>, vector<1x64x768xf32>
    %swap3A_176 = vector.shape_cast %swap3A_175 : vector<1x64x768xf32> to vector<64x768xf32>
    %swap3A_177 = vector.shape_cast %dot_general3A_171 : vector<64x768xf32> to vector<1x64x768xf32>
    tpu.vector_store %arg3[%swap3A_172, %swap3A_173, %swap3A_174], %swap3A_177 {strides = array<i32>} : memref<1x512x768xf32, #tpu.memory_space<vmem>>, vector<1x64x768xf32>,
    return
  }
  func.func @transform_0(%arg0: i32) -> (i32, i32, i32) {
    %c0_i32 = arith.constant 0 : i32
    %c0_i32_0 = arith.constant 0 : i32
    %c0_i32_1 = arith.constant 0 : i32
    return %arg0, %c0_i32, %c0_i32_0 : i32, i32, i32
  }
  func.func @transform_1(%arg0: i32) -> (i32, i32, i32) {
    %c0_i32 = arith.constant 0 : i32
    %c0_i32_0 = arith.constant 0 : i32
    %c0_i32_1 = arith.constant 0 : i32
    return %arg0, %c0_i32, %c0_i32_0 : i32, i32, i32
  }
  func.func @transform_2(%arg0: i32) -> (i32, i32, i32) {
    %c0_i32 = arith.constant 0 : i32
    %c0_i32_0 = arith.constant 0 : i32
    %c0_i32_1 = arith.constant 0 : i32
    return %arg0, %c0_i32, %c0_i32_0 : i32, i32, i32
  }
}

</mosaic_0001>

<sc_bundles>
// kernel: _run.4.cloned.1.call-start
scs
__scs_entry_jumppad:
0x0: {  	(pc) =	sbr.rel $0x88, $3  }
0x1: {  	(tag) =	ssettag $0x0;
	lr =	simm.s32 $0x1  }
0x2: {  	[smem:$0x3F9F] =	sst lr;
	_ =	strace $0xD0000000  }
0x3: {  	_ = 	snop  }
0x4: {  	_ = 	snop  }
0x5: {  	_ = 	snop  }
0x6: {  	_ = 	snop  }
0x7: {  	_ = 	snop  }
__scs_overlays_trampoline_lowered:
0x8: {  	[smem:$0x3FAE] =	sst s0  }
0x9: {  	[smem:$0x3FAF] =	sst s1  }
0xa: {  	[smem:$0x3FB0] =	sst s2  }
0xb: {  	[smem:$0x3FB1] =	sst s3  }
0xc: {  	[smem:$0x3FB2] =	sst s4  }
0xd: {  	[smem:$0x3FB3] =	sst s5  }
0xe: {  	[smem:$0x3FB4] =	sst s6  }
0xf: {  	[smem:$0x3FB5] =	sst s7  }
0x10: {  	[smem:$0x3FB6] =	sst s8  }
0x11: {  	[smem:$0x3FB7] =	sst s9;
	s0 =	simm.s32 @!p0 $0x0  }
0x12: {  	s1 =	sld [smem:$0x3F9D];
	s0 =	simm.s32 @p0 $0x1  }
0x13: {  	[smem:$0x3FB8] =	sst s0;
	s0 =	simm.s32 @!p1 $0x0  }
0x14: {  	s2 =	sld [smem:$0x3F9C];
	s0 =	simm.s32 @p1 $0x1  }
0x15: {  	[smem:$0x3FB9] =	sst s0;
	s0 =	simm.s32 @!p2 $0x0  }
0x16: {  	s3 =	sld [smem:$0x3FDB];
	s0 =	simm.s32 @p2 $0x1  }
0x17: {  	s4 =	simm.s32 $0x1BF5;
	[smem:$0x3FBB] =	sst s0  }
0x18: {  	s0 =	sld [smem:$0x3F9E];
	_ =	swait.ge [sflag:s4], $0x0  }
0x19: {  	s7 =	sld [smem:$0x3F9F]  }
0x1a: {  	s8 =	sadd.s32 $0xFFFFE003, lr  }
0x1b: {  	s9 =	sadd.s32 $0xFFFFFEF7, lr;
	s5 =	simm.s32 $0xFFFFFFFF;
	p2 =	slt.u32 s8, $0xFFFFF086  }
0x1c: {  	p1 =	slt.u32 s9, $0xF7A;
	s5 =	simm.s32 @!p2 $0x0  }
0x1d: {  	s5 =	simm.s32 @p1 $0x1;
	p0 =	seq.s32 s7, s2  }
0x1e: {  	s7 =	smul.u32 @!p0 $0xF7A, s2;
	p2 =	seq.s32 @!p0 s5, $0x0  }
0x1f: {  	s9 =	smul.u32 $0xF7A, s1;
	s8 =	simm.s32 @!p0 $0x1BF5;
	p2 =	por !p2, p0  }
0x20: {  	[sflag:s8] =	ssyncset.s32 @!p0 $0xFFFFF086;
	s6 =	sadd.s32 @!p0 s3, s7;
	s7 =	simm.s32 @!p0 $0x108  }
0x21: {  	s3 =	sadd.s32 s3, s9;
	s6 =	sadd.s32 @!p0 $0x88, s6;
	s7 =	simm.s32 @p2 $0x1082  }
0x22: {  	[simem:s7], [sflag:s8] =	dma.local @!p0 [hbm:s6], $0xF7A  }
0x23: {  	s9 =	sor.u32 $0xD0000000, s2;
	s6 =	simm.s32 $0x108;
	_ =	swait.ge @!p0 [sflag:s8], $0x0  }
0x24: {  	s3 =	sadd.s32 $0x88, s3;
	s6 =	simm.s32 @!p1 $0x1082;
	[sflag:s4] =	ssyncset.s32 $0xFFFFF086  }
0x25: {  	[simem:s6], [sflag:s4] =	dma.local [hbm:s3], $0xF7A  }
0x26: {  	[smem:$0x3F9F] =	sst s1;
	(tag) =	ssettag s2;
	_ =	strace s9  }
0x27: {  	s1 =	sld [smem:$0x3FAF]  }
0x28: {  	s2 =	sld [smem:$0x3FB0]  }
0x29: {  	s4 =	sld [smem:$0x3FB2]  }
0x2a: {  	p0 =	seq.s32 s5, $0x0;
	s5 =	sld [smem:$0x3FB3]  }
0x2b: {  	s6 =	sld [smem:$0x3FB4]  }
0x2c: {  	s7 =	sld [smem:$0x3FB5]  }
0x2d: {  	s3 =	simm.s32 $0x108;
	s8 =	sld [smem:$0x3FB6]  }
0x2e: {  	s3 =	simm.s32 @!p0 $0x1082;
	s9 =	sld [smem:$0x3FB7]  }
0x2f: {  	lr =	sadd.s32 s0, s3;
	s0 =	sld [smem:$0x3FAE]  }
0x30: {  	s3 =	sld [smem:$0x3FB1]  }
0x31: {  	[smem:$0x3FBA] =	sst s10  }
0x32: {  	s10 =	sld [smem:$0x3FB8];
	_ =	sdelay $0x3  }
0x33: {  	p0 =	seq.s32 s10, $0x1;
	s10 =	sld [smem:$0x3FBA];
	_ =	sdelay $0x3  }
0x34: {  	[smem:$0x3FBA] =	sst s10  }
0x35: {  	s10 =	sld [smem:$0x3FB9];
	_ =	sdelay $0x3  }
0x36: {  	p1 =	seq.s32 s10, $0x1;
	s10 =	sld [smem:$0x3FBA];
	_ =	sdelay $0x3  }
0x37: {  	[smem:$0x3FBA] =	sst s10  }
0x38: {  	s10 =	sld [smem:$0x3FBB]  }
0x39: {  	_ = 	snop;
	(pc) =	sbr.ind lr, $3  }
0x3a: {  	_ = 	snop  }
0x3b: {  	_ = 	snop  }
0x3c: {  	p2 =	seq.s32 s10, $0x1;
	s10 =	sld [smem:$0x3FBA]  }
0x3d: {  	_ =	shalt  }
0x3e: {  	_ =	shalt  }
0x3f: {  	_ =	shalt  }
0x40: {  	_ =	shalt  }
0x41: {  	_ =	shalt  }
0x42: {  	_ =	shalt  }
0x43: {  	_ =	shalt  }
0x44: {  	_ =	shalt  }
0x45: {  	_ =	shalt  }
0x46: {  	_ =	shalt  }
0x47: {  	_ =	shalt  }
0x48: {  	_ =	shalt  }
0x49: {  	_ =	shalt  }
0x4a: {  	_ =	shalt  }
0x4b: {  	_ =	shalt  }
0x4c: {  	_ =	shalt  }
0x4d: {  	_ =	shalt  }
0x4e: {  	_ =	shalt  }
0x4f: {  	_ =	shalt  }
0x50: {  	_ =	shalt  }
0x51: {  	_ =	shalt  }
0x52: {  	_ =	shalt  }
0x53: {  	_ =	shalt  }
0x54: {  	_ =	shalt  }
0x55: {  	_ =	shalt  }
0x56: {  	_ =	shalt  }
0x57: {  	_ =	shalt  }
0x58: {  	_ =	shalt  }
0x59: {  	_ =	shalt  }
0x5a: {  	_ =	shalt  }
0x5b: {  	_ =	shalt  }
0x5c: {  	_ =	shalt  }
0x5d: {  	_ =	shalt  }
0x5e: {  	_ =	shalt  }
0x5f: {  	_ =	shalt  }
0x60: {  	_ =	shalt  }
0x61: {  	_ =	shalt  }
0x62: {  	_ =	shalt  }
0x63: {  	_ =	shalt  }
0x64: {  	_ =	shalt  }
0x65: {  	_ =	shalt  }
0x66: {  	_ =	shalt  }
0x67: {  	_ =	shalt  }
0x68: {  	_ =	shalt  }
0x69: {  	_ =	shalt  }
0x6a: {  	_ =	shalt  }
0x6b: {  	_ =	shalt  }
0x6c: {  	_ =	shalt  }
0x6d: {  	_ =	shalt  }
0x6e: {  	_ =	shalt  }
0x6f: {  	_ =	shalt  }
0x70: {  	_ =	shalt  }
0x71: {  	_ =	shalt  }
0x72: {  	_ =	shalt  }
0x73: {  	_ =	shalt  }
0x74: {  	_ =	shalt  }
0x75: {  	_ =	shalt  }
0x76: {  	_ =	shalt  }
0x77: {  	_ =	shalt  }
0x78: {  	_ =	shalt  }
0x79: {  	_ =	shalt  }
0x7a: {  	_ =	shalt  }
0x7b: {  	_ =	shalt  }
0x7c: {  	_ =	shalt  }
0x7d: {  	_ =	shalt  }
0x7e: {  	_ =	shalt  }
0x7f: {  	_ =	shalt  }
0x80: {  	_ =	shalt  }
0x81: {  	_ =	shalt  }
0x82: {  	_ =	shalt  }
0x83: {  	_ =	shalt  }
0x84: {  	_ =	shalt  }
0x85: {  	_ =	shalt  }
0x86: {  	_ =	shalt  }
0x87: {  	_ =	shalt  }
.Lfunc_end0:
.L_simem_size_0:
called_computation_lowered:
.L_overlay_start_0:
0x88: {  	s0 =	sld [smem:$0x3FD9]  }
0x89: {  	s1 =	sld [smem:$0x3FFE];
	_ =	sdelay $0x3  }
0x8a: {  	s0 =	sadd.s32 s1, s0  }
0x8b: {  	[smem:$0x3FC6] =	sst s0  }
0x8c: {  	_ = 	snop  }
0x8d: {  	s0 =	sld [smem:$0x3FD0];
	_ =	sdelay $0x2  }
0x8e: {  	s14 =	simm.s32 $0xA;
	s2 =	simm.s32 $0x10  }
0x8f: {  	[smem:s2], [sflag:s14] =	dma.local [hbm:s0], $0x1  }
0x90: {  	_ =	swait.eq [sflag:s14], $0x1  }
0x91: {  	[sflag:s14] =	ssyncset.done $0x0  }
0x92: {  	s15 =	sld [smem:$0x10];
	[sflag:s14] =	ssyncadd.s32 $0xFFFFFFFF  }
0x93: {  	s16 =	sld [smem:$0x11];
	(tm) =	ssettm $0x1  }
0x94: {  	s17 =	sld [smem:$0x3FFB];
	_ =	sdelay $0x3  }
0x95: {  	_ =	strace s17  }
0x96: {  	s2 =	sld [smem:$0x3FFC];
	_ =	sdelay $0x3  }
0x97: {  	_ =	strace s2  }
0x98: {  	s2 =	sld [smem:$0x3FFD];
	_ =	sdelay $0x3  }
0x99: {  	_ =	strace s2  }
0x9a: {  	_ =	strace $0x8FFFFFFF  }
0x9b: {  	s18 =	sld [smem:$0x3FDB];
	_ =	sdelay $0x1  }
0x9c: {  	s3 =	simm.s32 $_scs_section_size  }
0x9d: {  	s4 =	simm.s32 $_size__tile_overlayer_lowered;
	s5 =	simm.s32 $_tile_overlayer_lowered  }
0x9e: {  	s21 =	simm.s32 $0x1BFF;
	s20 =	sshll.u32 s5, $0x1;
	s2 =	sadd.s32 s3, s18  }
0x9f: {  	s6 =	simm.s32 $0x0;
	s19 =	sshll.u32 s4, $0x1;
	s4 =	sadd.s32 s20, s2  }
0xa0: {  	[timem:s6], [sflag:s21] =	dma.local [hbm:s4], s19  }
0xa1: {  	_ =	swait.ge [sflag:s21], s19  }
0xa2: {  	s3 =	ssub.s32 $0x0, s19;
	[sflag:s21] =	ssyncset.done $0x0  }
0xa3: {  	[sflag:s21] =	ssyncadd.s32 s3;
	_ =	sdelay $0x1  }
0xa4: {  	s22 =	simm.s32 $0x1B8B  }
0xa5: {  	_ =	swait.ge [sflag:s22], $0x1  }
0xa6: {  	[sflag:s22] =	ssyncset.done $0x0  }
0xa7: {  	s23 =	simm.s32 $0x1B8E;
	[sflag:s22] =	ssyncadd.s32 $0xFFFFFFFF  }
0xa8: {  	s24 =	simm.s32 $execute0_lowered;
	[smem:$0x3FD2] =	sst s23  }
0xa9: {  	s3 =	sshll.u32 s24, $0x1;
	_ =	strace $0x80000046;
	[dreg:$0x1] =	wrdreg $0xFFFFFFFF  }
0xaa: {  	s25 =	simm.s32 $_size_execute0_lowered;
	s2 =	sadd.s32 s2, s3;
	[dreg:$0x0] =	wrdreg $0x0  }
0xab: {  	s3 =	sshll.u32 s25, $0x1;
	[dreg:$0x2] =	wrdreg s2  }
0xac: {  	[dreg:$0x3] =	wrdreg s3  }
0xad: {  	[dreg:$0x4] =	wrdreg $0xC0  }
0xae: {  	_ =	task [dreg:s6], $0x5FFFF  }
0xaf: {  	[dreg:$0x1] =	wrdreg $0xFFFFFFFF  }
0xb0: {  	[dreg:$0x0] =	wrdreg $0x60  }
0xb1: {  	[dreg:$0x2] =	wrdreg s15  }
0xb2: {  	[dreg:$0x3] =	wrdreg s16  }
0xb3: {  	[dreg:$0x4] =	wrdreg $0x9  }
0xb4: {  	_ =	task.clear_ibuf [dreg:s6], $0x5FFFF;
	_ =	strace $0x90000046  }
0xb5: {  	s26 =	simm.s32 $0x9;
	_ =	strace $0x80000048  }
0xb6: {  	_ =	swait.ge [sflag:s26], $0x1  }
0xb7: {  	[sflag:s26] =	ssyncadd.s32 $0xFFFFFFFF  }
0xb8: {  	_ =	strace $0x90000048  }
0xb9: {  	_ =	sfence  }
0xba: {  	s28 =	sld [smem:$0x0];
	_ =	sdelay $0x1  }
0xbb: {  	s29 =	srdreg.scid  }
0xbc: {  	s30 =	sshll.u32 s29, $0xD;
	s31 =	sshrl.u32 s29, $0x2  }
0xbd: {  	s1 =	sand.u32 $0x1, s29;
	s2 =	sand.u32 $0x4000, s30;
	s0 =	sadd.s32 s31, s28  }
0xbe: {  	s1 =	sor.u32 s2, s1;
	s0 =	sshll.u32 s0, $0x11  }
0xbf: {  	s0 =	sor.u32 s0, s1  }
0xc0: {  	s0 =	sadd.s32 $0x8F2B, s0  }
0xc1: {  	[sflag:s0] =	ssyncadd.remote.s32 $0x1  }
0xc2: {  	_ =	sfence.sel $0xFFFF  }
0xc3: {  	[dreg:$0x0] =	wrdreg $0xFFFFFFFF;
	(pc) =	sbr.abs _section_cstart, $3  }
0xc4: {  	[dreg:$0x1] =	wrdreg $0xFFFFFFFF  }
0xc5: {  	_ =	task.clear_ibuf [dreg:s6], $0x2FFFF;
	_ =	strace $0x9FFFFFFF  }
0xc6: {  	(tm) =	ssettm $0x7FFFFFFF  }
0xc7: {  	_ =	shalt  }
tec
execute0_lowered:
.L_overlay_start_1:
0x0: {  	(tag) =	ssettag $0x1  }
0x1: {  	s0 =	stileid.u32;
	s5 =	simm.s32 $0x0  }
0x2: {  	s2 =	sshrl.u32 s0, $0x3;
	s8 =	smul.u32 $0xAB, s5  }
0x3: {  	s3 =	sand.u32 $0x7, s0;
	s1 =	smul.u32 $0x1D400, s2  }
0x4: {  	s7 =	rddreg [dreg:$0x0];
	s6 =	smul.u32 $0x3A80, s3  }
0x5: {  	s4 =	rddreg [dreg:$0x1]  }
0x6: {  	[smem:$0x7FF] =	sst s5;
	s8 =	sshrl.u32 s8, $0xB;
	s6 =	sadd.s32 s6, s1  }
0x7: {  	s1 =	rddreg [dreg:$0x2];
	s8 =	sand.u32 $0x1F, s8;
	s6 =	sshrl.u32 s6, $0x3  }
0x8: {  	_ =	strace $0x80000047;
	s25 =	smul.u32 $0xC, s8;
	s6 =	sadd.s32 s7, s6  }
0x9: {  	[tilespmem:s5], [sflag:$0x1] =	stream.linear.gather [hbm4b:s6+s5], $0x3A80, $0x38;
	[tilespmem:$0x3AC0] =	vst v63  }
0xa: {  	s26 =	ssub.s32 $0x0, s25  }
0xb: {  	s28 =	smul.u32 $0x2700, s8;
	s5 =	sand.u32 $0xFF, s26  }
0xc: {  	s29 =	simm.s32 $0x1;
	s5 =	smul.u32 $0x340, s5  }
0xd: {  	_ =	swait.ge [sflag:s29], $0x3A80  }
0xe: {  	s6 =	sshrl.u32 s28, $0x2;
	[sflag:s29] =	ssyncset.done $0x0;
	s5 =	sshrl.u32 s5, $0x2  }
0xf: {  	[sflag:s29] =	ssyncadd.s32 $0xFFFFC580;
	s6 =	sadd.s32 s5, s6  }
0x10: {  	s30 =	simm.s32 $0x1;
	v0 =	vld [tilespmem:s6+$0xC0]  }
0x11: {  	s5 =	smul.u32 $0xAB, s30;
	v1 =	vld [tilespmem:s6+$0x0]  }
0x12: {  	v2 =	vld [tilespmem:s6+$0x10]  }
0x13: {  	v3 =	vld [tilespmem:s6+$0x20];
	s5 =	sshrl.u32 s5, $0xB  }
0x14: {  	v6 =	vld [tilespmem:s6+$0x30];
	s5 =	sand.u32 $0x1F, s5  }
0x15: {  	v11 =	vld [tilespmem:s6+$0x40];
	s31 =	smul.u32 $0xC, s5  }
0x16: {  	v12 =	vld [tilespmem:s6+$0x50]  }
0x17: {  	v16 =	vld [tilespmem:s6+$0x60];
	s7 =	ssub.s32 $0x1, s31  }
0x18: {  	v4 =	vimm.f32 $0.0e+00;
	v17 =	vld [tilespmem:s6+$0x70];
	s5 =	smul.u32 $0x2700, s5;
	s7 =	sand.u32 $0xFF, s7  }
0x19: {  	v18 =	vld [tilespmem:s6+$0x80];
	v5 =	vadd.f32 v0, v4;
	s7 =	smul.u32 $0x340, s7  }
0x1a: {  	v13 =	vld [tilespmem:s6+$0x90];
	v7 =	vadd.f32 v1, v4;
	v8 =	vadd.f32 v2, v4  }
0x1b: {  	v14 =	vld [tilespmem:s6+$0xA0];
	v9 =	vadd.f32 v3, v4;
	v10 =	vadd.f32 v6, v4;
	s5 =	sshrl.u32 s5, $0x2;
	s7 =	sshrl.u32 s7, $0x2  }
0x1c: {  	v15 =	vld [tilespmem:s6+$0xB0];
	v6 =	vadd.f32 v11, v4;
	v0 =	vadd.f32 v12, v4;
	s5 =	sadd.s32 s7, s5  }
0x1d: {  	s6 =	simm.s32 $0x2;
	v2 =	vadd.f32 v16, v4;
	v1 =	vadd.f32 v17, v4;
	v16 =	vld [tilespmem:s5+$0xC0]  }
0x1e: {  	s8 =	smul.u32 $0xAB, s6;
	v3 =	vadd.f32 v18, v4;
	v12 =	vimm.f32 $0.0e+00;
	v11 =	vimm.f32 $0.0e+00;
	s7 =	simm.s32 $0x3;
	v17 =	vld [tilespmem:s5+$0x0]  }
.LBB2_1:
0x1f: {  	p0 =	sne.s32 s7, $0x47;
	v18 =	vld [tilespmem:s5+$0x10];
	v4 =	vadd.f32 v13, v4  }
0x20: {  	s8 =	sshrl.u32 s8, $0xB;
	v13 =	vld [tilespmem:s5+$0x20];
	v12 =	vadd.f32 v14, v12  }
0x21: {  	s8 =	sand.u32 $0x1F, s8;
	v14 =	vld [tilespmem:s5+$0x30];
	v11 =	vadd.f32 v15, v11  }
0x22: {  	s9 =	smul.u32 $0xC, s8;
	v15 =	vld [tilespmem:s5+$0x40];
	v5 =	vadd.f32 v16, v5  }
0x23: {  	v7 =	vadd.f32 v17, v7;
	v16 =	vld [tilespmem:s5+$0x50]  }
0x24: {  	s9 =	ssub.s32 s6, s9;
	v8 =	vadd.f32 v18, v8;
	v17 =	vld [tilespmem:s5+$0x60];
	s6 =	smov.u32 s7  }
0x25: {  	s8 =	smul.u32 $0x2700, s8;
	s9 =	sand.u32 $0xFF, s9;
	v9 =	vadd.f32 v13, v9;
	v18 =	vld [tilespmem:s5+$0x70]  }
0x26: {  	s9 =	smul.u32 $0x340, s9;
	v10 =	vadd.f32 v14, v10;
	v19 =	vld [tilespmem:s5+$0x80]  }
.Ltmp0:
0x27: {  	v6 =	vadd.f32 v15, v6;
	v13 =	vld [tilespmem:s5+$0x90];
	(pc) =	sbr.rel @p0 .LBB2_1-.Ltmp0, $4  }
0x28: {  	s8 =	sshrl.u32 s8, $0x2;
	s9 =	sshrl.u32 s9, $0x2;
	v0 =	vadd.f32 v16, v0;
	v14 =	vld [tilespmem:s5+$0xA0]  }
0x29: {  	v2 =	vadd.f32 v17, v2;
	v15 =	vld [tilespmem:s5+$0xB0];
	s5 =	sadd.s32 s9, s8  }
0x2a: {  	v16 =	vld [tilespmem:s5+$0xC0];
	v1 =	vadd.f32 v18, v1  }
0x2b: {  	s7 =	sadd.s32 $0x1, s7;
	s8 =	smul.u32 $0xAB, s6;
	v17 =	vld [tilespmem:s5+$0x0];
	v3 =	vadd.f32 v19, v3  }
0x2c: {  	v18 =	vld [tilespmem:s5+$0x10]  }
0x2d: {  	v19 =	vld [tilespmem:s5+$0x20];
	s7 =	sshrl.u32 s8, $0xB  }
0x2e: {  	v20 =	vld [tilespmem:s5+$0x30];
	s7 =	sand.u32 $0x1F, s7  }
0x2f: {  	v21 =	vld [tilespmem:s5+$0x40];
	s29 =	smul.u32 $0xC, s7  }
0x30: {  	v22 =	vld [tilespmem:s5+$0x50]  }
0x31: {  	v23 =	vld [tilespmem:s5+$0x60];
	s6 =	ssub.s32 s6, s29  }
0x32: {  	v24 =	vld [tilespmem:s5+$0x70];
	s7 =	smul.u32 $0x2700, s7;
	s6 =	sand.u32 $0xFF, s6  }
0x33: {  	v25 =	vld [tilespmem:s5+$0x80];
	s6 =	smul.u32 $0x340, s6  }
0x34: {  	v26 =	vld [tilespmem:s5+$0x90]  }
0x35: {  	v27 =	vld [tilespmem:s5+$0xA0];
	s7 =	sshrl.u32 s7, $0x2;
	s6 =	sshrl.u32 s6, $0x2  }
0x36: {  	v28 =	vld [tilespmem:s5+$0xB0];
	s6 =	sadd.s32 s6, s7  }
0x37: {  	v29 =	vld [tilespmem:s6+$0xC0]  }
0x38: {  	v30 =	vld [tilespmem:s6+$0x0]  }
0x39: {  	v31 =	vld [tilespmem:s6+$0x10]  }
0x3a: {  	v4 =	vadd.f32 v13, v4;
	v12 =	vadd.f32 v14, v12;
	v13 =	vld [tilespmem:s6+$0x20]  }
0x3b: {  	v14 =	vadd.f32 v15, v11;
	v15 =	vadd.f32 v16, v5;
	v5 =	vld [tilespmem:s6+$0x30]  }
0x3c: {  	v7 =	vadd.f32 v17, v7;
	v8 =	vadd.f32 v18, v8;
	v11 =	vld [tilespmem:s6+$0x40]  }
0x3d: {  	v9 =	vadd.f32 v19, v9;
	v10 =	vadd.f32 v20, v10;
	v16 =	vld [tilespmem:s6+$0x50]  }
0x3e: {  	v40 =	vadd.f32 v30, v7;
	v41 =	vadd.f32 v31, v8;
	v7 =	vld [tilespmem:s6+$0x60]  }
0x3f: {  	v6 =	vadd.f32 v21, v6;
	v42 =	vadd.f32 v13, v9;
	v9 =	vld [tilespmem:s6+$0x70]  }
0x40: {  	v8 =	vadd.f32 v22, v0;
	v0 =	vadd.f32 v5, v10;
	v5 =	vld [tilespmem:s6+$0x80];
	v10 =	vmax.f32 v40, v41  }
0x41: {  	v13 =	vadd.f32 v23, v2;
	v2 =	vadd.f32 v11, v6;
	v6 =	vld [tilespmem:s6+$0x90];
	v10 =	vmax.f32 v10, v42  }
0x42: {  	v11 =	vadd.f32 v24, v1;
	v1 =	vadd.f32 v16, v8;
	v16 =	vld [tilespmem:s6+$0xA0];
	v10 =	vmax.f32 v10, v0  }
0x43: {  	v3 =	vadd.f32 v25, v3;
	v8 =	vadd.f32 v7, v13;
	v7 =	vld [tilespmem:s6+$0xB0];
	v10 =	vmax.f32 v10, v2  }
0x44: {  	v13 =	vadd.f32 v26, v4;
	v4 =	vadd.f32 v9, v11;
	v9 =	vmax.f32 v10, v1  }
0x45: {  	v11 =	vadd.f32 v5, v3;
	v10 =	vadd.f32 v27, v12;
	v3 =	vmax.f32 v9, v8  }
0x46: {  	v12 =	vadd.f32 v28, v14;
	v5 =	vadd.f32 v6, v13;
	v3 =	vmax.f32 v3, v4  }
0x47: {  	v9 =	vadd.f32 v16, v10;
	v6 =	vmax.f32 v3, v11  }
0x48: {  	v10 =	vadd.f32 v29, v15;
	v3 =	vadd.f32 v7, v12;
	v6 =	vmax.f32 v6, v5  }
0x49: {  	vm0 =	vmmov $0xf;
	v6 =	vmax.f32 v6, v9  }
0x4a: {  	v12 =	vnsel vm0, $0xFF800000, v10;
	v6 =	vmax.f32 v6, v3  }
0x4b: {  	v6 =	vmax.f32 v6, v12  }
0x4c: {  	(xrf0) =	vmax.scan.msk.f32 $0xffff, v6;
	_ =	sdelay $0x5  }
0x4d: {  	v6, _, _ =	vpop (xrf0)  }
0x4e: {  	v24 =	vbroadcast v6, $0xF  }
0x4f: {  	v23 =	vlaneseq.u32  }
0x50: {  	v6 =	vor.u32 $0x800000C0, v23;
	vm0 =	veq.f32 v12, v24  }
0x51: {  	v7 =	vor.u32 $0x800000B0, v23;
	vm1 =	veq.f32 v3, v24;
	v13 =	vnsel vm0, $0xC0000000, v6  }
0x52: {  	v10 =	vor.u32 $0x800000A0, v23;
	vm0 =	veq.f32 v9, v24;
	v14 =	vsel vm1, v7, v13  }
0x53: {  	v13 =	vor.u32 $0x80000090, v23;
	vm1 =	veq.f32 v5, v24;
	v15 =	vsel vm0, v10, v14  }
0x54: {  	v14 =	vor.u32 $0x80000080, v23;
	vm0 =	veq.f32 v11, v24;
	v16 =	vsel vm1, v13, v15  }
0x55: {  	v15 =	vor.u32 $0x80000070, v23;
	vm1 =	veq.f32 v4, v24;
	v17 =	vsel vm0, v14, v16  }
0x56: {  	v16 =	vor.u32 $0x80000060, v23;
	vm0 =	veq.f32 v8, v24;
	v18 =	vsel vm1, v15, v17  }
0x57: {  	v17 =	vor.u32 $0x80000050, v23;
	vm1 =	veq.f32 v1, v24;
	v19 =	vsel vm0, v16, v18  }
0x58: {  	v18 =	vor.u32 $0x80000040, v23;
	vm0 =	veq.f32 v2, v24;
	v20 =	vsel vm1, v17, v19  }
0x59: {  	v19 =	vor.u32 $0x80000030, v23;
	vm1 =	veq.f32 v0, v24;
	v21 =	vsel vm0, v18, v20  }
0x5a: {  	v20 =	vor.u32 $0x80000020, v23;
	vm0 =	veq.f32 v42, v24;
	v22 =	vsel vm1, v19, v21  }
0x5b: {  	v21 =	vor.u32 $0x80000010, v23;
	vm1 =	veq.f32 v41, v24;
	v25 =	vsel vm0, v20, v22  }
0x5c: {  	v22 =	vor.u32 $0x80000000, v23;
	vm0 =	veq.f32 v40, v24;
	v24 =	vsel vm1, v21, v25  }
0x5d: {  	v24 =	vsel vm0, v22, v24  }
0x5e: {  	(xrf0) =	vmin.scan.msk.u32 $0xffff, v24;
	_ =	sdelay $0x5  }
0x5f: {  	v24, _, _ =	vpop (xrf0)  }
0x60: {  	(v2sf) =	vpush v24, $0xF;
	_ =	sdelay $0xb  }
0x61: {  	s30 =	simm.s32 $0x0  }
0x62: {  	v43 =	vmov s30;
	v35 =	vor.u32 $0x10, v23  }
0x63: {  	v36 =	vor.u32 $0x20, v23;
	v37 =	vor.u32 $0x30, v23;
	v38 =	vor.u32 $0x40, v23  }
0x64: {  	v33 =	vor.u32 $0x50, v23;
	v34 =	vor.u32 $0x60, v23;
	v31 =	vor.u32 $0x70, v23;
	s31 =	spop (v2sf)  }
0x65: {  	v32 =	vor.u32 $0x80, v23;
	v30 =	vor.u32 $0xA0, v23;
	v27 =	vor.u32 $0xB0, v23;
	s5 =	sxor.u32 $0x80000000, s31  }
0x66: {  	v28 =	vor.u32 $0xC0, v23;
	v29 =	vor.u32 $0x90, v23;
	v39 =	vmov s5  }
0x67: {  	s5 =	simm.s32 $0x3A80;
	vm0 =	veq.s32 v39, v23;
	vm1 =	veq.s32 v39, v35;
	vm2 =	veq.s32 v39, v36  }
0x68: {  	[tilespmem:v43+s5+$0x0] =	vst.idx.msk $0x1, v39;
	v24 =	vsel vm0, $0xFF800000, v40;
	v25 =	vsel vm1, $0xFF800000, v41;
	v26 =	vsel vm2, $0xFF800000, v42  }
0x69: {  	s7 =	simm.s32 $0x2;
	s6 =	simm.s32 $0x1;
	vm0 =	veq.s32 v39, v37;
	vm1 =	veq.s32 v39, v38;
	v40 =	vmax.f32 v24, v25  }
.LBB2_3:
0x6a: {  	p0 =	sne.s32 s7, $0x3F;
	v40 =	vmax.f32 v40, v26;
	v0 =	vsel vm0, $0xFF800000, v0;
	v2 =	vsel vm1, $0xFF800000, v2  }
0x6b: {  	vm0 =	veq.s32 v39, v33;
	vm1 =	veq.s32 v39, v34;
	v40 =	vmax.f32 v40, v0  }
0x6c: {  	v1 =	vsel vm0, $0xFF800000, v1;
	v8 =	vsel vm1, $0xFF800000, v8;
	v40 =	vmax.f32 v40, v2  }
0x6d: {  	vm0 =	veq.s32 v39, v31;
	vm1 =	veq.s32 v39, v32;
	v40 =	vmax.f32 v40, v1  }
0x6e: {  	v4 =	vsel vm0, $0xFF800000, v4;
	v11 =	vsel vm1, $0xFF800000, v11;
	v40 =	vmax.f32 v40, v8  }
0x6f: {  	vm0 =	veq.s32 v39, v29;
	vm1 =	veq.s32 v39, v30;
	v40 =	vmax.f32 v40, v4  }
0x70: {  	v5 =	vsel vm0, $0xFF800000, v5;
	v9 =	vsel vm1, $0xFF800000, v9;
	v40 =	vmax.f32 v40, v11  }
0x71: {  	vm0 =	veq.s32 v39, v27;
	vm1 =	veq.s32 v39, v28;
	v40 =	vmax.f32 v40, v5  }
0x72: {  	v3 =	vsel vm0, $0xFF800000, v3;
	v12 =	vsel vm1, $0xFF800000, v12;
	v39 =	vmax.f32 v40, v9  }
0x73: {  	v39 =	vmax.f32 v39, v3  }
0x74: {  	v39 =	vmax.f32 v39, v12  }
0x75: {  	(xrf0) =	vmax.scan.msk.f32 $0xffff, v39;
	_ =	sdelay $0x5  }
0x76: {  	v39, _, _ =	vpop (xrf0)  }
0x77: {  	v39 =	vbroadcast v39, $0xF;
	_ =	sdelay $0x1  }
0x78: {  	vm0 =	veq.f32 v12, v39  }
0x79: {  	vm1 =	veq.f32 v3, v39;
	v40 =	vnsel vm0, $0xC0000000, v6  }
0x7a: {  	vm0 =	veq.f32 v9, v39;
	v40 =	vsel vm1, v7, v40  }
0x7b: {  	vm1 =	veq.f32 v5, v39;
	v40 =	vsel vm0, v10, v40  }
0x7c: {  	vm0 =	veq.f32 v11, v39;
	v40 =	vsel vm1, v13, v40  }
0x7d: {  	vm1 =	veq.f32 v4, v39;
	v40 =	vsel vm0, v14, v40  }
0x7e: {  	vm0 =	veq.f32 v8, v39;
	v40 =	vsel vm1, v15, v40  }
0x7f: {  	vm1 =	veq.f32 v1, v39;
	v40 =	vsel vm0, v16, v40  }
0x80: {  	vm0 =	veq.f32 v2, v39;
	v40 =	vsel vm1, v17, v40  }
0x81: {  	vm1 =	veq.f32 v0, v39;
	v40 =	vsel vm0, v18, v40  }
0x82: {  	vm0 =	veq.f32 v26, v39;
	v40 =	vsel vm1, v19, v40  }
0x83: {  	vm1 =	veq.f32 v25, v39;
	v40 =	vsel vm0, v20, v40  }
0x84: {  	vm0 =	veq.f32 v24, v39;
	v39 =	vsel vm1, v21, v40  }
0x85: {  	v39 =	vsel vm0, v22, v39  }
0x86: {  	(xrf0) =	vmin.scan.msk.u32 $0xffff, v39;
	_ =	sdelay $0x5  }
0x87: {  	v39, _, _ =	vpop (xrf0)  }
0x88: {  	(v2sf) =	vpush v39, $0xF;
	_ =	sdelay $0xd  }
0x89: {  	v40 =	vmov s6;
	s6 =	smov.u32 s7  }
0x8a: {  	s8 =	spop (v2sf)  }
.Ltmp1:
0x8b: {  	s8 =	sxor.u32 $0x80000000, s8;
	(pc) =	sbr.rel @p0 .LBB2_3-.Ltmp1, $4  }
0x8c: {  	v39 =	vmov s8  }
0x8d: {  	vm0 =	veq.s32 v39, v23;
	vm1 =	veq.s32 v39, v35;
	vm2 =	veq.s32 v39, v36  }
0x8e: {  	v24 =	vsel vm0, $0xFF800000, v24;
	v25 =	vsel vm1, $0xFF800000, v25;
	v26 =	vsel vm2, $0xFF800000, v26;
	[tilespmem:v40+s5+$0x0] =	vst.idx.msk $0x1, v39  }
0x8f: {  	s7 =	sadd.s32 $0x1, s7;
	vm0 =	veq.s32 v39, v37;
	vm1 =	veq.s32 v39, v38;
	v40 =	vmax.f32 v24, v25  }
0x90: {  	v23 =	vmax.f32 v40, v26;
	v0 =	vsel vm0, $0xFF800000, v0  }
0x91: {  	v2 =	vsel vm1, $0xFF800000, v2;
	vm7 =	veq.s32 v39, v33;
	v23 =	vmax.f32 v23, v0  }
0x92: {  	vm8 =	veq.s32 v39, v34;
	v1 =	vsel vm7, $0xFF800000, v1;
	v23 =	vmax.f32 v23, v2  }
0x93: {  	vm9 =	veq.s32 v39, v31;
	v8 =	vsel vm8, $0xFF800000, v8;
	v23 =	vmax.f32 v23, v1  }
0x94: {  	vm10 =	veq.s32 v39, v32;
	v4 =	vsel vm9, $0xFF800000, v4;
	v23 =	vmax.f32 v23, v8  }
0x95: {  	vm11 =	veq.s32 v39, v29;
	v11 =	vsel vm10, $0xFF800000, v11;
	v23 =	vmax.f32 v23, v4  }
0x96: {  	vm12 =	veq.s32 v39, v30;
	v5 =	vsel vm11, $0xFF800000, v5;
	v23 =	vmax.f32 v23, v11  }
0x97: {  	vm13 =	veq.s32 v39, v27;
	v9 =	vsel vm12, $0xFF800000, v9;
	v23 =	vmax.f32 v23, v5  }
0x98: {  	vm14 =	veq.s32 v39, v28;
	v3 =	vsel vm13, $0xFF800000, v3;
	v23 =	vmax.f32 v23, v9  }
0x99: {  	v12 =	vsel vm14, $0xFF800000, v12;
	v23 =	vmax.f32 v23, v3  }
0x9a: {  	v23 =	vmax.f32 v23, v12  }
0x9b: {  	(xrf0) =	vmax.scan.msk.f32 $0xffff, v23;
	_ =	sdelay $0x5  }
0x9c: {  	v23, _, _ =	vpop (xrf0)  }
0x9d: {  	v23 =	vbroadcast v23, $0xF;
	_ =	sdelay $0x1  }
0x9e: {  	vm15 =	veq.f32 v12, v23  }
0x9f: {  	vm4 =	veq.f32 v3, v23;
	v59 =	vnsel vm15, $0xC0000000, v6  }
0xa0: {  	vm5 =	veq.f32 v9, v23;
	v3 =	vsel vm4, v7, v59  }
0xa1: {  	vm6 =	veq.f32 v5, v23;
	v3 =	vsel vm5, v10, v3  }
0xa2: {  	vm7 =	veq.f32 v11, v23;
	v3 =	vsel vm6, v13, v3  }
0xa3: {  	vm8 =	veq.f32 v4, v23;
	v3 =	vsel vm7, v14, v3  }
0xa4: {  	vm9 =	veq.f32 v8, v23;
	v3 =	vsel vm8, v15, v3  }
0xa5: {  	vm10 =	veq.f32 v1, v23;
	v60 =	vsel vm9, v16, v3  }
0xa6: {  	vm11 =	veq.f32 v2, v23;
	v1 =	vsel vm10, v17, v60  }
0xa7: {  	vm12 =	veq.f32 v0, v23;
	v61 =	vsel vm11, v18, v1  }
0xa8: {  	vm13 =	veq.f32 v26, v23;
	v0 =	vsel vm12, v19, v61  }
0xa9: {  	vm14 =	veq.f32 v25, v23;
	v0 =	vsel vm13, v20, v0  }
0xaa: {  	vm15 =	veq.f32 v24, v23;
	v0 =	vsel vm14, v21, v0  }
0xab: {  	v0 =	vsel vm15, v22, v0  }
0xac: {  	(xrf0) =	vmin.scan.msk.u32 $0xffff, v0;
	_ =	sdelay $0x5  }
0xad: {  	v0, _, _ =	vpop (xrf0)  }
0xae: {  	(v2sf) =	vpush v0, $0xF;
	_ =	sdelay $0xc  }
0xaf: {  	v62 =	vmov s6;
	_ =	sdelay $0x1  }
0xb0: {  	s28 =	spop (v2sf)  }
0xb1: {  	s3 =	sshll.u32 s3, $0x4;
	s6 =	sxor.u32 $0x80000000, s28  }
0xb2: {  	s2 =	sshll.u32 s2, $0x7;
	s29 =	simm.s32 $0x0;
	s3 =	sadd.s32 s4, s3;
	v63 =	vmov s6  }
0xb3: {  	s30 =	simm.s32 $0x3A80;
	s31 =	simm.s32 $0x1;
	s2 =	sadd.s32 s2, s3;
	[tilespmem:v62+s5+$0x0] =	vst.idx.msk $0x1, v63  }
0xb4: {  	[hbm4b:s2+s29] =	stream.linear.scatter [tilespmem:s30], [sflag:$0x1], $0x40, $0x38;
	[tilespmem:$0x3AC0] =	vst v63  }
0xb5: {  	_ =	swait.ge [sflag:s31], $0x40  }
0xb6: {  	[sflag:s31] =	ssyncset.done $0x0  }
0xb7: {  	[sflag:s31] =	ssyncadd.s32 $0xFFFFFFC0  }
0xb8: {  	_ =	sfence.sel $0x180000  }
0xb9: {  	[bflag:$0x0] =	sbarrier.arrive $0xFFFF  }
0xba: {  	p0 =	sne.s32 s0, $0x0;
	_ =	strace $0x90000047  }
0xbb: {  	s0 =	sadd.s32 @!p0 $0x100000, s1;
	[bflag:$0x2] =	sbarrier.arrive $0xFFFF  }
0xbc: {  	[sflag:s0] =	ssyncadd.tile.s32 @!p0 $0x1;
	_ =	shalt  }
.Lfunc_end2:
_tile_overlayer_lowered:
.L_overlay_start_2:
0xbd: {  	(tag) =	ssettag $0x2  }
0xbe: {  	s0 =	rddreg [dreg:$0x0];
	s2 =	stileid.u32  }
0xbf: {  	s1 =	rddreg [dreg:$0x1];
	p0 =	sne.s32 s2, $0x0  }
0xc0: {  	s3 =	rddreg [dreg:$0x2];
	[bflag:$0x3] =	sbarrier.arrive $0xFFFF;
	s2 =	simm.s32 @!p0 $0x1C01  }
0xc1: {  	[timem:s3], [sflag:s2] =	dma.local @!p0 [hbm:s0], s1  }
0xc2: {  	s0 =	simm.s32 @!p0 $0x1  }
0xc3: {  	_ =	swait.ge @!p0 [sflag:s0], s1  }
0xc4: {  	s1 =	ssub.s32 @!p0 $0x0, s1;
	[sflag:s0] =	ssyncset.done @!p0 $0x0  }
0xc5: {  	[sflag:s0] =	ssyncadd.s32 @!p0 s1  }
0xc6: {  	[bflag:$0x3] =	sbarrier.arrive $0xFFFF  }
0xc7: {  	_ =	shalt  }

</sc_bundles>
